<compile_context>
chip_gen: v7x
topology: tpu7x:2x2x1
jax: 0.10.2.dev20260603
libtpu: 0.0.44.dev20260713+nightly
codegen_flags: <defaults>
</compile_context>

<pallas_src>
import functools

import jax
import jax.numpy as jnp
from jax import lax
from jax.experimental import pallas as pl
from jax.experimental.pallas import tpu as pltpu
from jax.experimental.pallas import tpu_sc as plsc

NC = 2
NS = 16
NW = NC * NS
BLK = 128
SCALE = 8.0
L = 16


def _embed_sc(table2, X4, B, H, D):
    blks_per_w = B // (NW * BLK)
    H8 = X4.shape[0]

    mesh = plsc.VectorSubcoreMesh(core_axis_name="c", subcore_axis_name="s")

    @functools.partial(
        pl.kernel,
        mesh=mesh,
        compiler_params=pltpu.CompilerParams(
            use_tc_tiling_on_sc=False, needs_layout_passes=False),
        out_type=jax.ShapeDtypeStruct((H, D // 8, B // BLK, 8, BLK), jnp.float32),
        scratch_types=[
            pltpu.VMEM((H8, 1, 8, BLK), jnp.int32),
            pltpu.VMEM((BLK, D), jnp.float32),
            pltpu.VMEM((BLK, D), jnp.float32),
            pltpu.VMEM((D // 8, 1, 8, BLK + 1), jnp.float32),
            pltpu.VMEM((D // 8, 1, 8, BLK + 1), jnp.float32),
            pltpu.SemaphoreType.DMA,
            pltpu.SemaphoreType.DMA,
            pltpu.SemaphoreType.DMA,
            pltpu.SemaphoreType.DMA,
        ],
    )
    def k(tab_hbm, idx_hbm, out_hbm, idxq, buf0, buf1, ob0, ob1,
          sem0, sem1, osem0, osem1):
        wid = lax.axis_index("s") * NC + lax.axis_index("c")
        iota = lax.iota(jnp.int32, L)
        dhq = [(q * L + iota) // 8 for q in range(D // L)]
        dlq = [(q * L + iota) % 8 for q in range(D // L)]
        zeroq = jnp.zeros((L,), jnp.int32)

        def double_idx(_):
            def row(h, c):
                ch = lax.div(h, 8)
                cl = lax.rem(h, 8)
                for kk in range(BLK // L):
                    sl = pl.ds(kk * L, L)
                    idxq[ch, 0, cl, sl] = idxq[ch, 0, cl, sl] * 2
                return c

            lax.fori_loop(0, H, row, 0)

        def fire(h, buf, sem):
            ch = lax.div(h, 8)
            cl = lax.rem(h, 8)
            pltpu.async_copy(tab_hbm.at[idxq.at[ch, 0, cl]], buf, sem)

        def drain(h, buf, sem):
            ch = lax.div(h, 8)
            cl = lax.rem(h, 8)
            pltpu.make_async_copy(tab_hbm.at[idxq.at[ch, 0, cl]], buf, sem).wait()

        def out_dst(h, gblk):
            return out_hbm.at[h, pl.ds(0, D // 8), pl.ds(gblk, 1)]

        def out_src(obuf):
            return obuf.at[pl.ds(0, D // 8), pl.ds(0, 1), pl.ds(0, 8),
                           pl.ds(0, BLK)]

        def transpose(buf, obuf):
            @plsc.parallel_loop(0, BLK, 1, unroll=2)
            def rowb(b):
                bvec = jnp.full((L,), b, jnp.int32)
                vs = [buf[b, pl.ds(q * L, L)] * SCALE for q in range(D // L)]
                for q in range(D // L):
                    plsc.store_scatter(obuf, [dhq[q], zeroq, dlq[q], bvec],
                                       vs[q])

        def blk_body(blk, c):
            gblk = wid * blks_per_w + blk
            pltpu.sync_copy(idx_hbm.at[pl.ds(0, H8), pl.ds(gblk, 1)], idxq)
            double_idx(blk)
            fire(0, buf0, sem0)

            def h_body(h, cc):
                for b in range(2):
                    buf = (buf0, buf1)[b]
                    sem = (sem0, sem1)[b]
                    nbuf = (buf0, buf1)[1 - b]
                    nsem = (sem0, sem1)[1 - b]
                    obuf = (ob0, ob1)[b]
                    osem = (osem0, osem1)[b]

                    @pl.when(lax.rem(h, 2) == b)
                    def _():
                        @pl.when(h + 1 < H)
                        def _():
                            fire(h + 1, nbuf, nsem)

                        @pl.when(h >= 2)
                        def _():
                            pltpu.make_async_copy(
                                out_src(obuf), out_dst(h - 2, gblk),
                                osem).wait()

                        drain(h, buf, sem)
                        transpose(buf, obuf)
                        pltpu.async_copy(out_src(obuf), out_dst(h, gblk),
                                         osem)

                return cc

            lax.fori_loop(0, H, h_body, 0)
            pltpu.make_async_copy(
                out_src(ob0), out_dst(H - 2, gblk), osem0).wait()
            pltpu.make_async_copy(
                out_src(ob1), out_dst(H - 1, gblk), osem1).wait()
            return c

        lax.fori_loop(0, blks_per_w, blk_body, 0)

    return k(table2, X4)


def kernel(X, embedding_matrix):
    B, H = X.shape
    V, D = embedding_matrix.shape
    H8 = (H + 7) // 8 * 8
    t2 = jnp.pad(embedding_matrix, ((0, 0), (0, 128 - D))).reshape(2 * V, D)
    x4 = (
        jnp.pad(X.astype(jnp.int32), ((0, 0), (0, H8 - H)))
        .reshape(B // BLK, BLK, H8 // 8, 8)
        .transpose(2, 0, 3, 1)
    )
    out5d = _embed_sc(t2, x4, B, H, D)
    return out5d.transpose(2, 4, 0, 1, 3).reshape(B, H, D)

# --- scband reference (transcript-rebuilt; emitter-appended) ---
"""Pipeline reference for scband-embedding-18184891531860 (READ-ONLY COPY).

The authoritative reference and input builder live on the scoring server;
editing this copy changes nothing except your own understanding.
"""

import math
import jax, jax.numpy as jnp
import numpy as np

VOCAB = 1000000
D_MODEL = 64
BATCH = 16384
HIST = 50

def setup_inputs(seed: int = 0) -> dict:
    key = jax.random.key(seed)
    k_idx, k_tab = jax.random.split(key)
    X = jax.random.randint(k_idx, (BATCH, HIST), 0, VOCAB, dtype=jnp.int64 if jax.config.read('jax_enable_x64') else jnp.int32)
    embedding_matrix = jax.random.normal(k_tab, (VOCAB, D_MODEL), dtype=jnp.float32)
    return {"X": X, "embedding_matrix": embedding_matrix}

def reference(X, embedding_matrix):
    # Faithful translation: nn.Embedding lookup scaled by sqrt(d_model)
    out = jnp.take(embedding_matrix, X, axis=0)
    return out * math.sqrt(D_MODEL)

if __name__ == "__main__":
    import jax
    _d = setup_inputs()
    print(jax.jit(kernel)(*tuple(_d.values())))

</pallas_src>

<mosaic_0001>
#map = affine_map<(d0, d1) -> (0, 0)>
#map1 = affine_map<(d0, d1) -> (0, 0, 0, 0)>
#map2 = affine_map<(d0, d1) -> (0, 0, 0, 0, 0)>
module attributes {stable_mosaic.version = 14 : i64} {
  func.func @k(%arg0: i32, %arg1: i32, %arg2: memref<2000000x64xf32, #tpu.memory_space<hbm>>, %arg3: memref<7x128x8x128xi32, #tpu.memory_space<hbm>>, %arg4: memref<50x8x128x8x128xf32, #tpu.memory_space<hbm>>, %arg5: memref<7x1x8x128xi32, #tpu.memory_space<vmem>>, %arg6: memref<128x64xf32, #tpu.memory_space<vmem>>, %arg7: memref<128x64xf32, #tpu.memory_space<vmem>>, %arg8: memref<8x1x8x129xf32, #tpu.memory_space<vmem>>, %arg9: memref<8x1x8x129xf32, #tpu.memory_space<vmem>>, %arg10: memref<!tpu.dma_semaphore, #tpu.memory_space<semaphore_mem>>, %arg11: memref<!tpu.dma_semaphore, #tpu.memory_space<semaphore_mem>>, %arg12: memref<!tpu.dma_semaphore, #tpu.memory_space<semaphore_mem>>, %arg13: memref<!tpu.dma_semaphore, #tpu.memory_space<semaphore_mem>>) attributes {dimension_semantics = [#tpu.dimension_semantics<core_parallel>, #tpu.dimension_semantics<subcore_parallel>], iteration_bounds = array<i64: 2, 16>, scalar_prefetch = 0 : i64, scratch_operands = 9 : i64, tpu.core_type = #tpu.core_type<sc_vector_subcore>, window_params = [{transform_indices = #map}, {transform_indices = #map1}, {transform_indices = #map2}]} {
    %mul3A = arith.constant 2 : i32
    %mul3A_0 = arith.muli %arg1, %mul3A : i32
    %add3A = arith.addi %mul3A_0, %arg0 : i32
    %iota3A = tpu.iota {dimensions = array<i32: 0>} : vector<16xi32>
    %add3A_1 = arith.constant 0 : i32
    %add3A_2 = vector.broadcast %add3A_1 : i32 to vector<16xi32>
    %add3A_3 = arith.addi %add3A_2, %iota3A : vector<16xi32>
    %jit3A = arith.constant 8 : i32
    %div3A = vector.broadcast %jit3A : i32 to vector<16xi32>
    %div3A_4 = arith.divsi %add3A_3, %div3A : vector<16xi32>
    %sign3A = arith.constant 0 : i32
    %sign3A_5 = vector.broadcast %sign3A : i32 to vector<16xi32>
    %sign3A_6 = arith.cmpi sgt, %add3A_3, %sign3A_5 : vector<16xi32>
    %sign3A_7 = arith.extui %sign3A_6 : vector<16xi1> to vector<16xi32>
    %sign3A_8 = arith.constant 0 : i32
    %sign3A_9 = vector.broadcast %sign3A_8 : i32 to vector<16xi32>
    %sign3A_10 = arith.cmpi slt, %add3A_3, %sign3A_9 : vector<16xi32>
    %sign3A_11 = arith.extui %sign3A_10 : vector<16xi1> to vector<16xi32>
    %sign3A_12 = arith.subi %sign3A_7, %sign3A_11 : vector<16xi32>
    %sign3A_13 = arith.constant 0 : i32
    %sign3A_14 = arith.cmpi sgt, %jit3A, %sign3A_13 : i32
    %sign3A_15 = arith.extui %sign3A_14 : i1 to i32
    %sign3A_16 = arith.constant 0 : i32
    %sign3A_17 = arith.cmpi slt, %jit3A, %sign3A_16 : i32
    %sign3A_18 = arith.extui %sign3A_17 : i1 to i32
    %sign3A_19 = arith.subi %sign3A_15, %sign3A_18 : i32
    %ne3A = vector.broadcast %sign3A_19 : i32 to vector<16xi32>
    %ne3A_20 = arith.cmpi ne, %sign3A_12, %ne3A : vector<16xi32>
    %rem3A = vector.broadcast %jit3A : i32 to vector<16xi32>
    %rem3A_21 = arith.remsi %add3A_3, %rem3A : vector<16xi32>
    %ne3A_22 = arith.constant 0 : i32
    %ne3A_23 = vector.broadcast %ne3A_22 : i32 to vector<16xi32>
    %ne3A_24 = arith.cmpi ne, %rem3A_21, %ne3A_23 : vector<16xi32>
    %and3A = arith.andi %ne3A_20, %ne3A_24 : vector<16xi1>
    %sub3A = arith.constant 1 : i32
    %sub3A_25 = vector.broadcast %sub3A : i32 to vector<16xi32>
    %sub3A_26 = arith.subi %div3A_4, %sub3A_25 : vector<16xi32>
    %select_n3A = arith.select %and3A, %sub3A_26, %div3A_4 : vector<16xi1>, vector<16xi32>
    %add3A_27 = arith.constant 16 : i32
    %add3A_28 = vector.broadcast %add3A_27 : i32 to vector<16xi32>
    %add3A_29 = arith.addi %add3A_28, %iota3A : vector<16xi32>
    %jit3A_30 = arith.constant 8 : i32
    %div3A_31 = vector.broadcast %jit3A_30 : i32 to vector<16xi32>
    %div3A_32 = arith.divsi %add3A_29, %div3A_31 : vector<16xi32>
    %sign3A_33 = arith.constant 0 : i32
    %sign3A_34 = vector.broadcast %sign3A_33 : i32 to vector<16xi32>
    %sign3A_35 = arith.cmpi sgt, %add3A_29, %sign3A_34 : vector<16xi32>
    %sign3A_36 = arith.extui %sign3A_35 : vector<16xi1> to vector<16xi32>
    %sign3A_37 = arith.constant 0 : i32
    %sign3A_38 = vector.broadcast %sign3A_37 : i32 to vector<16xi32>
    %sign3A_39 = arith.cmpi slt, %add3A_29, %sign3A_38 : vector<16xi32>
    %sign3A_40 = arith.extui %sign3A_39 : vector<16xi1> to vector<16xi32>
    %sign3A_41 = arith.subi %sign3A_36, %sign3A_40 : vector<16xi32>
    %sign3A_42 = arith.constant 0 : i32
    %sign3A_43 = arith.cmpi sgt, %jit3A_30, %sign3A_42 : i32
    %sign3A_44 = arith.extui %sign3A_43 : i1 to i32
    %sign3A_45 = arith.constant 0 : i32
    %sign3A_46 = arith.cmpi slt, %jit3A_30, %sign3A_45 : i32
    %sign3A_47 = arith.extui %sign3A_46 : i1 to i32
    %sign3A_48 = arith.subi %sign3A_44, %sign3A_47 : i32
    %ne3A_49 = vector.broadcast %sign3A_48 : i32 to vector<16xi32>
    %ne3A_50 = arith.cmpi ne, %sign3A_41, %ne3A_49 : vector<16xi32>
    %rem3A_51 = vector.broadcast %jit3A_30 : i32 to vector<16xi32>
    %rem3A_52 = arith.remsi %add3A_29, %rem3A_51 : vector<16xi32>
    %ne3A_53 = arith.constant 0 : i32
    %ne3A_54 = vector.broadcast %ne3A_53 : i32 to vector<16xi32>
    %ne3A_55 = arith.cmpi ne, %rem3A_52, %ne3A_54 : vector<16xi32>
    %and3A_56 = arith.andi %ne3A_50, %ne3A_55 : vector<16xi1>
    %sub3A_57 = arith.constant 1 : i32
    %sub3A_58 = vector.broadcast %sub3A_57 : i32 to vector<16xi32>
    %sub3A_59 = arith.subi %div3A_32, %sub3A_58 : vector<16xi32>
    %select_n3A_60 = arith.select %and3A_56, %sub3A_59, %div3A_32 : vector<16xi1>, vector<16xi32>
    %add3A_61 = arith.constant 32 : i32
    %add3A_62 = vector.broadcast %add3A_61 : i32 to vector<16xi32>
    %add3A_63 = arith.addi %add3A_62, %iota3A : vector<16xi32>
    %jit3A_64 = arith.constant 8 : i32
    %div3A_65 = vector.broadcast %jit3A_64 : i32 to vector<16xi32>
    %div3A_66 = arith.divsi %add3A_63, %div3A_65 : vector<16xi32>
    %sign3A_67 = arith.constant 0 : i32
    %sign3A_68 = vector.broadcast %sign3A_67 : i32 to vector<16xi32>
    %sign3A_69 = arith.cmpi sgt, %add3A_63, %sign3A_68 : vector<16xi32>
    %sign3A_70 = arith.extui %sign3A_69 : vector<16xi1> to vector<16xi32>
    %sign3A_71 = arith.constant 0 : i32
    %sign3A_72 = vector.broadcast %sign3A_71 : i32 to vector<16xi32>
    %sign3A_73 = arith.cmpi slt, %add3A_63, %sign3A_72 : vector<16xi32>
    %sign3A_74 = arith.extui %sign3A_73 : vector<16xi1> to vector<16xi32>
    %sign3A_75 = arith.subi %sign3A_70, %sign3A_74 : vector<16xi32>
    %sign3A_76 = arith.constant 0 : i32
    %sign3A_77 = arith.cmpi sgt, %jit3A_64, %sign3A_76 : i32
    %sign3A_78 = arith.extui %sign3A_77 : i1 to i32
    %sign3A_79 = arith.constant 0 : i32
    %sign3A_80 = arith.cmpi slt, %jit3A_64, %sign3A_79 : i32
    %sign3A_81 = arith.extui %sign3A_80 : i1 to i32
    %sign3A_82 = arith.subi %sign3A_78, %sign3A_81 : i32
    %ne3A_83 = vector.broadcast %sign3A_82 : i32 to vector<16xi32>
    %ne3A_84 = arith.cmpi ne, %sign3A_75, %ne3A_83 : vector<16xi32>
    %rem3A_85 = vector.broadcast %jit3A_64 : i32 to vector<16xi32>
    %rem3A_86 = arith.remsi %add3A_63, %rem3A_85 : vector<16xi32>
    %ne3A_87 = arith.constant 0 : i32
    %ne3A_88 = vector.broadcast %ne3A_87 : i32 to vector<16xi32>
    %ne3A_89 = arith.cmpi ne, %rem3A_86, %ne3A_88 : vector<16xi32>
    %and3A_90 = arith.andi %ne3A_84, %ne3A_89 : vector<16xi1>
    %sub3A_91 = arith.constant 1 : i32
    %sub3A_92 = vector.broadcast %sub3A_91 : i32 to vector<16xi32>
    %sub3A_93 = arith.subi %div3A_66, %sub3A_92 : vector<16xi32>
    %select_n3A_94 = arith.select %and3A_90, %sub3A_93, %div3A_66 : vector<16xi1>, vector<16xi32>
    %add3A_95 = arith.constant 48 : i32
    %add3A_96 = vector.broadcast %add3A_95 : i32 to vector<16xi32>
    %add3A_97 = arith.addi %add3A_96, %iota3A : vector<16xi32>
    %jit3A_98 = arith.constant 8 : i32
    %div3A_99 = vector.broadcast %jit3A_98 : i32 to vector<16xi32>
    %div3A_100 = arith.divsi %add3A_97, %div3A_99 : vector<16xi32>
    %sign3A_101 = arith.constant 0 : i32
    %sign3A_102 = vector.broadcast %sign3A_101 : i32 to vector<16xi32>
    %sign3A_103 = arith.cmpi sgt, %add3A_97, %sign3A_102 : vector<16xi32>
    %sign3A_104 = arith.extui %sign3A_103 : vector<16xi1> to vector<16xi32>
    %sign3A_105 = arith.constant 0 : i32
    %sign3A_106 = vector.broadcast %sign3A_105 : i32 to vector<16xi32>
    %sign3A_107 = arith.cmpi slt, %add3A_97, %sign3A_106 : vector<16xi32>
    %sign3A_108 = arith.extui %sign3A_107 : vector<16xi1> to vector<16xi32>
    %sign3A_109 = arith.subi %sign3A_104, %sign3A_108 : vector<16xi32>
    %sign3A_110 = arith.constant 0 : i32
    %sign3A_111 = arith.cmpi sgt, %jit3A_98, %sign3A_110 : i32
    %sign3A_112 = arith.extui %sign3A_111 : i1 to i32
    %sign3A_113 = arith.constant 0 : i32
    %sign3A_114 = arith.cmpi slt, %jit3A_98, %sign3A_113 : i32
    %sign3A_115 = arith.extui %sign3A_114 : i1 to i32
    %sign3A_116 = arith.subi %sign3A_112, %sign3A_115 : i32
    %ne3A_117 = vector.broadcast %sign3A_116 : i32 to vector<16xi32>
    %ne3A_118 = arith.cmpi ne, %sign3A_109, %ne3A_117 : vector<16xi32>
    %rem3A_119 = vector.broadcast %jit3A_98 : i32 to vector<16xi32>
    %rem3A_120 = arith.remsi %add3A_97, %rem3A_119 : vector<16xi32>
    %ne3A_121 = arith.constant 0 : i32
    %ne3A_122 = vector.broadcast %ne3A_121 : i32 to vector<16xi32>
    %ne3A_123 = arith.cmpi ne, %rem3A_120, %ne3A_122 : vector<16xi32>
    %and3A_124 = arith.andi %ne3A_118, %ne3A_123 : vector<16xi1>
    %sub3A_125 = arith.constant 1 : i32
    %sub3A_126 = vector.broadcast %sub3A_125 : i32 to vector<16xi32>
    %sub3A_127 = arith.subi %div3A_100, %sub3A_126 : vector<16xi32>
    %select_n3A_128 = arith.select %and3A_124, %sub3A_127, %div3A_100 : vector<16xi1>, vector<16xi32>
    %add3A_129 = arith.constant 0 : i32
    %add3A_130 = vector.broadcast %add3A_129 : i32 to vector<16xi32>
    %add3A_131 = arith.addi %add3A_130, %iota3A : vector<16xi32>
    %jit3A_132 = arith.constant 8 : i32
    %eq3A = arith.constant 0 : i32
    %eq3A_133 = arith.cmpi eq, %jit3A_132, %eq3A : i32
    %jit3A_134 = arith.constant 1 : i32
    %select_n3A_135 = arith.select %eq3A_133, %jit3A_134, %jit3A_132 : i32
    %rem3A_136 = vector.broadcast %select_n3A_135 : i32 to vector<16xi32>
    %rem3A_137 = arith.remsi %add3A_131, %rem3A_136 : vector<16xi32>
    %ne3A_138 = arith.constant 0 : i32
    %ne3A_139 = vector.broadcast %ne3A_138 : i32 to vector<16xi32>
    %ne3A_140 = arith.cmpi ne, %rem3A_137, %ne3A_139 : vector<16xi32>
    %lt3A = arith.constant 0 : i32
    %lt3A_141 = vector.broadcast %lt3A : i32 to vector<16xi32>
    %lt3A_142 = arith.cmpi slt, %rem3A_137, %lt3A_141 : vector<16xi32>
    %lt3A_143 = arith.constant 0 : i32
    %lt3A_144 = arith.cmpi slt, %select_n3A_135, %lt3A_143 : i32
    %ne3A_145 = vector.broadcast %lt3A_144 : i1 to vector<16xi1>
    %ne3A_146 = vector.broadcast %ne3A_145 : vector<16xi1> to vector<16xi1>
    %ne3A_147 = arith.xori %lt3A_142, %ne3A_146 : vector<16xi1>
    %and3A_148 = arith.andi %ne3A_147, %ne3A_140 : vector<16xi1>
    %add3A_149 = vector.broadcast %select_n3A_135 : i32 to vector<16xi32>
    %add3A_150 = arith.addi %rem3A_137, %add3A_149 : vector<16xi32>
    %select_n3A_151 = arith.select %and3A_148, %add3A_150, %rem3A_137 : vector<16xi1>, vector<16xi32>
    %add3A_152 = arith.constant 16 : i32
    %add3A_153 = vector.broadcast %add3A_152 : i32 to vector<16xi32>
    %add3A_154 = arith.addi %add3A_153, %iota3A : vector<16xi32>
    %jit3A_155 = arith.constant 8 : i32
    %eq3A_156 = arith.constant 0 : i32
    %eq3A_157 = arith.cmpi eq, %jit3A_155, %eq3A_156 : i32
    %jit3A_158 = arith.constant 1 : i32
    %select_n3A_159 = arith.select %eq3A_157, %jit3A_158, %jit3A_155 : i32
    %rem3A_160 = vector.broadcast %select_n3A_159 : i32 to vector<16xi32>
    %rem3A_161 = arith.remsi %add3A_154, %rem3A_160 : vector<16xi32>
    %ne3A_162 = arith.constant 0 : i32
    %ne3A_163 = vector.broadcast %ne3A_162 : i32 to vector<16xi32>
    %ne3A_164 = arith.cmpi ne, %rem3A_161, %ne3A_163 : vector<16xi32>
    %lt3A_165 = arith.constant 0 : i32
    %lt3A_166 = vector.broadcast %lt3A_165 : i32 to vector<16xi32>
    %lt3A_167 = arith.cmpi slt, %rem3A_161, %lt3A_166 : vector<16xi32>
    %lt3A_168 = arith.constant 0 : i32
    %lt3A_169 = arith.cmpi slt, %select_n3A_159, %lt3A_168 : i32
    %ne3A_170 = vector.broadcast %lt3A_169 : i1 to vector<16xi1>
    %ne3A_171 = vector.broadcast %ne3A_170 : vector<16xi1> to vector<16xi1>
    %ne3A_172 = arith.xori %lt3A_167, %ne3A_171 : vector<16xi1>
    %and3A_173 = arith.andi %ne3A_172, %ne3A_164 : vector<16xi1>
    %add3A_174 = vector.broadcast %select_n3A_159 : i32 to vector<16xi32>
    %add3A_175 = arith.addi %rem3A_161, %add3A_174 : vector<16xi32>
    %select_n3A_176 = arith.select %and3A_173, %add3A_175, %rem3A_161 : vector<16xi1>, vector<16xi32>
    %add3A_177 = arith.constant 32 : i32
    %add3A_178 = vector.broadcast %add3A_177 : i32 to vector<16xi32>
    %add3A_179 = arith.addi %add3A_178, %iota3A : vector<16xi32>
    %jit3A_180 = arith.constant 8 : i32
    %eq3A_181 = arith.constant 0 : i32
    %eq3A_182 = arith.cmpi eq, %jit3A_180, %eq3A_181 : i32
    %jit3A_183 = arith.constant 1 : i32
    %select_n3A_184 = arith.select %eq3A_182, %jit3A_183, %jit3A_180 : i32
    %rem3A_185 = vector.broadcast %select_n3A_184 : i32 to vector<16xi32>
    %rem3A_186 = arith.remsi %add3A_179, %rem3A_185 : vector<16xi32>
    %ne3A_187 = arith.constant 0 : i32
    %ne3A_188 = vector.broadcast %ne3A_187 : i32 to vector<16xi32>
    %ne3A_189 = arith.cmpi ne, %rem3A_186, %ne3A_188 : vector<16xi32>
    %lt3A_190 = arith.constant 0 : i32
    %lt3A_191 = vector.broadcast %lt3A_190 : i32 to vector<16xi32>
    %lt3A_192 = arith.cmpi slt, %rem3A_186, %lt3A_191 : vector<16xi32>
    %lt3A_193 = arith.constant 0 : i32
    %lt3A_194 = arith.cmpi slt, %select_n3A_184, %lt3A_193 : i32
    %ne3A_195 = vector.broadcast %lt3A_194 : i1 to vector<16xi1>
    %ne3A_196 = vector.broadcast %ne3A_195 : vector<16xi1> to vector<16xi1>
    %ne3A_197 = arith.xori %lt3A_192, %ne3A_196 : vector<16xi1>
    %and3A_198 = arith.andi %ne3A_197, %ne3A_189 : vector<16xi1>
    %add3A_199 = vector.broadcast %select_n3A_184 : i32 to vector<16xi32>
    %add3A_200 = arith.addi %rem3A_186, %add3A_199 : vector<16xi32>
    %select_n3A_201 = arith.select %and3A_198, %add3A_200, %rem3A_186 : vector<16xi1>, vector<16xi32>
    %add3A_202 = arith.constant 48 : i32
    %add3A_203 = vector.broadcast %add3A_202 : i32 to vector<16xi32>
    %add3A_204 = arith.addi %add3A_203, %iota3A : vector<16xi32>
    %jit3A_205 = arith.constant 8 : i32
    %eq3A_206 = arith.constant 0 : i32
    %eq3A_207 = arith.cmpi eq, %jit3A_205, %eq3A_206 : i32
    %jit3A_208 = arith.constant 1 : i32
    %select_n3A_209 = arith.select %eq3A_207, %jit3A_208, %jit3A_205 : i32
    %rem3A_210 = vector.broadcast %select_n3A_209 : i32 to vector<16xi32>
    %rem3A_211 = arith.remsi %add3A_204, %rem3A_210 : vector<16xi32>
    %ne3A_212 = arith.constant 0 : i32
    %ne3A_213 = vector.broadcast %ne3A_212 : i32 to vector<16xi32>
    %ne3A_214 = arith.cmpi ne, %rem3A_211, %ne3A_213 : vector<16xi32>
    %lt3A_215 = arith.constant 0 : i32
    %lt3A_216 = vector.broadcast %lt3A_215 : i32 to vector<16xi32>
    %lt3A_217 = arith.cmpi slt, %rem3A_211, %lt3A_216 : vector<16xi32>
    %lt3A_218 = arith.constant 0 : i32
    %lt3A_219 = arith.cmpi slt, %select_n3A_209, %lt3A_218 : i32
    %ne3A_220 = vector.broadcast %lt3A_219 : i1 to vector<16xi1>
    %ne3A_221 = vector.broadcast %ne3A_220 : vector<16xi1> to vector<16xi1>
    %ne3A_222 = arith.xori %lt3A_217, %ne3A_221 : vector<16xi1>
    %and3A_223 = arith.andi %ne3A_222, %ne3A_214 : vector<16xi1>
    %add3A_224 = vector.broadcast %select_n3A_209 : i32 to vector<16xi32>
    %add3A_225 = arith.addi %rem3A_211, %add3A_224 : vector<16xi32>
    %select_n3A_226 = arith.select %and3A_223, %add3A_225, %rem3A_211 : vector<16xi1>, vector<16xi32>
    %broadcast_in_dim3A = arith.constant 0 : i32
    %broadcast_in_dim3A_227 = vector.broadcast %broadcast_in_dim3A : i32 to vector<16xi32>
    %scan3A = arith.constant 0 : i32
    %scan3A_228 = arith.constant 0 : i32
    %scan3A_229 = arith.constant 4 : i32
    %scan3A_230 = arith.addi %scan3A_228, %scan3A_229 : i32
    %scan3A_231 = arith.constant 1 : i32
    scf.for %scan3A_233 = %scan3A_228 to %scan3A_230 step %scan3A_231  : i32 {
      %mul3A_234 = arith.constant 4 : i32
      %mul3A_235 = arith.muli %add3A, %mul3A_234 : i32
      %add3A_236 = arith.addi %mul3A_235, %scan3A_233 : i32
      "tpu.region"() ({
        %run_scoped3A = tpu.sem_alloc : memref<!tpu.dma_semaphore, #tpu.memory_space<semaphore_mem>>
        %dma_start3A_302 = arith.constant 0 : i32
        %dma_start3A_303 = arith.constant 0 : i32
        %dma_start3A_304 = arith.constant 0 : i32
        %dma_start3A_305 = tpu.memref_slice %arg3[%dma_start3A_302, %add3A_236, %dma_start3A_303, %dma_start3A_304] : memref<7x128x8x128xi32, #tpu.memory_space<hbm>> -> memref<7x1x8x128xi32, #tpu.memory_space<hbm>>
        %dma_start3A_306 = arith.constant 0 : i32
        %dma_start3A_307 = arith.constant 0 : i32
        %dma_start3A_308 = arith.constant 0 : i32
        %dma_start3A_309 = tpu.memref_slice %arg3[%dma_start3A_306, %add3A_236, %dma_start3A_307, %dma_start3A_308] : memref<7x128x8x128xi32, #tpu.memory_space<hbm>> -> memref<7x1x8x128xi32, #tpu.memory_space<hbm>>
        tpu.enqueue_dma source(%dma_start3A_309 : memref<7x1x8x128xi32, #tpu.memory_space<hbm>>) target(%arg5 : memref<7x1x8x128xi32, #tpu.memory_space<vmem>>) target_semaphore(%run_scoped3A : memref<!tpu.dma_semaphore, #tpu.memory_space<semaphore_mem>>)
        %dma_wait3A_310 = arith.constant 0 : i32
        %dma_wait3A_311 = arith.constant 0 : i32
        %dma_wait3A_312 = arith.constant 0 : i32
        %dma_wait3A_313 = tpu.memref_slice %arg3[%dma_wait3A_310, %add3A_236, %dma_wait3A_311, %dma_wait3A_312] : memref<7x128x8x128xi32, #tpu.memory_space<hbm>> -> memref<7x1x8x128xi32, #tpu.memory_space<hbm>>
        %dma_wait3A_314 = arith.constant 0 : i32
        %dma_wait3A_315 = arith.constant 0 : i32
        %dma_wait3A_316 = arith.constant 0 : i32
        %dma_wait3A_317 = tpu.memref_slice %arg3[%dma_wait3A_314, %add3A_236, %dma_wait3A_315, %dma_wait3A_316] : memref<7x128x8x128xi32, #tpu.memory_space<hbm>> -> memref<7x1x8x128xi32, #tpu.memory_space<hbm>>
        tpu.wait_dma2 semaphore(%run_scoped3A : memref<!tpu.dma_semaphore, #tpu.memory_space<semaphore_mem>>) src(%dma_wait3A_317 : memref<7x1x8x128xi32, #tpu.memory_space<hbm>>) dst(%arg5 : memref<7x1x8x128xi32, #tpu.memory_space<vmem>>)
        tpu.yield
      }) : () -> ()
      %scan3A_237 = arith.constant 0 : i32
      %scan3A_238 = arith.constant 0 : i32
      %scan3A_239 = arith.constant 50 : i32
      %scan3A_240 = arith.addi %scan3A_238, %scan3A_239 : i32
      %scan3A_241 = arith.constant 1 : i32
      scf.for %scan3A_302 = %scan3A_238 to %scan3A_240 step %scan3A_241  : i32 {
        %div3A_303 = arith.constant 8 : i32
        %div3A_304 = arith.divsi %scan3A_302, %div3A_303 : i32
        %rem3A_305 = arith.constant 8 : i32
        %rem3A_306 = arith.remsi %scan3A_302, %rem3A_305 : i32
        %get3A = arith.constant 0 : i32
        %get3A_307 = arith.index_cast %div3A_304 : i32 to index
        %get3A_308 = arith.index_cast %get3A : i32 to index
        %get3A_309 = arith.index_cast %rem3A_306 : i32 to index
        %get3A_310 = arith.constant 0 : index
        %get3A_311 = tpu.vector_load %arg5[%get3A_307, %get3A_308, %get3A_309, %get3A_310] {strides = array<i32>} : memref<7x1x8x128xi32, #tpu.memory_space<vmem>>, vector<16xi32>,
        %mul3A_312 = arith.constant 2 : i32
        %mul3A_313 = vector.broadcast %mul3A_312 : i32 to vector<16xi32>
        %mul3A_314 = arith.muli %get3A_311, %mul3A_313 : vector<16xi32>
        %swap3A = arith.constant 0 : i32
        %swap3A_315 = arith.index_cast %div3A_304 : i32 to index
        %swap3A_316 = arith.index_cast %swap3A : i32 to index
        %swap3A_317 = arith.index_cast %rem3A_306 : i32 to index
        %swap3A_318 = arith.constant 0 : index
        %swap3A_319 = tpu.vector_load %arg5[%swap3A_315, %swap3A_316, %swap3A_317, %swap3A_318] {strides = array<i32>} : memref<7x1x8x128xi32, #tpu.memory_space<vmem>>, vector<16xi32>,
        tpu.vector_store %arg5[%swap3A_315, %swap3A_316, %swap3A_317, %swap3A_318], %mul3A_314 {strides = array<i32>} : memref<7x1x8x128xi32, #tpu.memory_space<vmem>>, vector<16xi32>,
        %get3A_320 = arith.constant 0 : i32
        %get3A_321 = arith.index_cast %div3A_304 : i32 to index
        %get3A_322 = arith.index_cast %get3A_320 : i32 to index
        %get3A_323 = arith.index_cast %rem3A_306 : i32 to index
        %get3A_324 = arith.constant 16 : index
        %get3A_325 = tpu.vector_load %arg5[%get3A_321, %get3A_322, %get3A_323, %get3A_324] {strides = array<i32>} : memref<7x1x8x128xi32, #tpu.memory_space<vmem>>, vector<16xi32>,
        %mul3A_326 = arith.constant 2 : i32
        %mul3A_327 = vector.broadcast %mul3A_326 : i32 to vector<16xi32>
        %mul3A_328 = arith.muli %get3A_325, %mul3A_327 : vector<16xi32>
        %swap3A_329 = arith.constant 0 : i32
        %swap3A_330 = arith.index_cast %div3A_304 : i32 to index
        %swap3A_331 = arith.index_cast %swap3A_329 : i32 to index
        %swap3A_332 = arith.index_cast %rem3A_306 : i32 to index
        %swap3A_333 = arith.constant 16 : index
        %swap3A_334 = tpu.vector_load %arg5[%swap3A_330, %swap3A_331, %swap3A_332, %swap3A_333] {strides = array<i32>} : memref<7x1x8x128xi32, #tpu.memory_space<vmem>>, vector<16xi32>,
        tpu.vector_store %arg5[%swap3A_330, %swap3A_331, %swap3A_332, %swap3A_333], %mul3A_328 {strides = array<i32>} : memref<7x1x8x128xi32, #tpu.memory_space<vmem>>, vector<16xi32>,
        %get3A_335 = arith.constant 0 : i32
        %get3A_336 = arith.index_cast %div3A_304 : i32 to index
        %get3A_337 = arith.index_cast %get3A_335 : i32 to index
        %get3A_338 = arith.index_cast %rem3A_306 : i32 to index
        %get3A_339 = arith.constant 32 : index
        %get3A_340 = tpu.vector_load %arg5[%get3A_336, %get3A_337, %get3A_338, %get3A_339] {strides = array<i32>} : memref<7x1x8x128xi32, #tpu.memory_space<vmem>>, vector<16xi32>,
        %mul3A_341 = arith.constant 2 : i32
        %mul3A_342 = vector.broadcast %mul3A_341 : i32 to vector<16xi32>
        %mul3A_343 = arith.muli %get3A_340, %mul3A_342 : vector<16xi32>
        %swap3A_344 = arith.constant 0 : i32
        %swap3A_345 = arith.index_cast %div3A_304 : i32 to index
        %swap3A_346 = arith.index_cast %swap3A_344 : i32 to index
        %swap3A_347 = arith.index_cast %rem3A_306 : i32 to index
        %swap3A_348 = arith.constant 32 : index
        %swap3A_349 = tpu.vector_load %arg5[%swap3A_345, %swap3A_346, %swap3A_347, %swap3A_348] {strides = array<i32>} : memref<7x1x8x128xi32, #tpu.memory_space<vmem>>, vector<16xi32>,
        tpu.vector_store %arg5[%swap3A_345, %swap3A_346, %swap3A_347, %swap3A_348], %mul3A_343 {strides = array<i32>} : memref<7x1x8x128xi32, #tpu.memory_space<vmem>>, vector<16xi32>,
        %get3A_350 = arith.constant 0 : i32
        %get3A_351 = arith.index_cast %div3A_304 : i32 to index
        %get3A_352 = arith.index_cast %get3A_350 : i32 to index
        %get3A_353 = arith.index_cast %rem3A_306 : i32 to index
        %get3A_354 = arith.constant 48 : index
        %get3A_355 = tpu.vector_load %arg5[%get3A_351, %get3A_352, %get3A_353, %get3A_354] {strides = array<i32>} : memref<7x1x8x128xi32, #tpu.memory_space<vmem>>, vector<16xi32>,
        %mul3A_356 = arith.constant 2 : i32
        %mul3A_357 = vector.broadcast %mul3A_356 : i32 to vector<16xi32>
        %mul3A_358 = arith.muli %get3A_355, %mul3A_357 : vector<16xi32>
        %swap3A_359 = arith.constant 0 : i32
        %swap3A_360 = arith.index_cast %div3A_304 : i32 to index
        %swap3A_361 = arith.index_cast %swap3A_359 : i32 to index
        %swap3A_362 = arith.index_cast %rem3A_306 : i32 to index
        %swap3A_363 = arith.constant 48 : index
        %swap3A_364 = tpu.vector_load %arg5[%swap3A_360, %swap3A_361, %swap3A_362, %swap3A_363] {strides = array<i32>} : memref<7x1x8x128xi32, #tpu.memory_space<vmem>>, vector<16xi32>,
        tpu.vector_store %arg5[%swap3A_360, %swap3A_361, %swap3A_362, %swap3A_363], %mul3A_358 {strides = array<i32>} : memref<7x1x8x128xi32, #tpu.memory_space<vmem>>, vector<16xi32>,
        %get3A_365 = arith.constant 0 : i32
        %get3A_366 = arith.index_cast %div3A_304 : i32 to index
        %get3A_367 = arith.index_cast %get3A_365 : i32 to index
        %get3A_368 = arith.index_cast %rem3A_306 : i32 to index
        %get3A_369 = arith.constant 64 : index
        %get3A_370 = tpu.vector_load %arg5[%get3A_366, %get3A_367, %get3A_368, %get3A_369] {strides = array<i32>} : memref<7x1x8x128xi32, #tpu.memory_space<vmem>>, vector<16xi32>,
        %mul3A_371 = arith.constant 2 : i32
        %mul3A_372 = vector.broadcast %mul3A_371 : i32 to vector<16xi32>
        %mul3A_373 = arith.muli %get3A_370, %mul3A_372 : vector<16xi32>
        %swap3A_374 = arith.constant 0 : i32
        %swap3A_375 = arith.index_cast %div3A_304 : i32 to index
        %swap3A_376 = arith.index_cast %swap3A_374 : i32 to index
        %swap3A_377 = arith.index_cast %rem3A_306 : i32 to index
        %swap3A_378 = arith.constant 64 : index
        %swap3A_379 = tpu.vector_load %arg5[%swap3A_375, %swap3A_376, %swap3A_377, %swap3A_378] {strides = array<i32>} : memref<7x1x8x128xi32, #tpu.memory_space<vmem>>, vector<16xi32>,
        tpu.vector_store %arg5[%swap3A_375, %swap3A_376, %swap3A_377, %swap3A_378], %mul3A_373 {strides = array<i32>} : memref<7x1x8x128xi32, #tpu.memory_space<vmem>>, vector<16xi32>,
        %get3A_380 = arith.constant 0 : i32
        %get3A_381 = arith.index_cast %div3A_304 : i32 to index
        %get3A_382 = arith.index_cast %get3A_380 : i32 to index
        %get3A_383 = arith.index_cast %rem3A_306 : i32 to index
        %get3A_384 = arith.constant 80 : index
        %get3A_385 = tpu.vector_load %arg5[%get3A_381, %get3A_382, %get3A_383, %get3A_384] {strides = array<i32>} : memref<7x1x8x128xi32, #tpu.memory_space<vmem>>, vector<16xi32>,
        %mul3A_386 = arith.constant 2 : i32
        %mul3A_387 = vector.broadcast %mul3A_386 : i32 to vector<16xi32>
        %mul3A_388 = arith.muli %get3A_385, %mul3A_387 : vector<16xi32>
        %swap3A_389 = arith.constant 0 : i32
        %swap3A_390 = arith.index_cast %div3A_304 : i32 to index
        %swap3A_391 = arith.index_cast %swap3A_389 : i32 to index
        %swap3A_392 = arith.index_cast %rem3A_306 : i32 to index
        %swap3A_393 = arith.constant 80 : index
        %swap3A_394 = tpu.vector_load %arg5[%swap3A_390, %swap3A_391, %swap3A_392, %swap3A_393] {strides = array<i32>} : memref<7x1x8x128xi32, #tpu.memory_space<vmem>>, vector<16xi32>,
        tpu.vector_store %arg5[%swap3A_390, %swap3A_391, %swap3A_392, %swap3A_393], %mul3A_388 {strides = array<i32>} : memref<7x1x8x128xi32, #tpu.memory_space<vmem>>, vector<16xi32>,
        %get3A_395 = arith.constant 0 : i32
        %get3A_396 = arith.index_cast %div3A_304 : i32 to index
        %get3A_397 = arith.index_cast %get3A_395 : i32 to index
        %get3A_398 = arith.index_cast %rem3A_306 : i32 to index
        %get3A_399 = arith.constant 96 : index
        %get3A_400 = tpu.vector_load %arg5[%get3A_396, %get3A_397, %get3A_398, %get3A_399] {strides = array<i32>} : memref<7x1x8x128xi32, #tpu.memory_space<vmem>>, vector<16xi32>,
        %mul3A_401 = arith.constant 2 : i32
        %mul3A_402 = vector.broadcast %mul3A_401 : i32 to vector<16xi32>
        %mul3A_403 = arith.muli %get3A_400, %mul3A_402 : vector<16xi32>
        %swap3A_404 = arith.constant 0 : i32
        %swap3A_405 = arith.index_cast %div3A_304 : i32 to index
        %swap3A_406 = arith.index_cast %swap3A_404 : i32 to index
        %swap3A_407 = arith.index_cast %rem3A_306 : i32 to index
        %swap3A_408 = arith.constant 96 : index
        %swap3A_409 = tpu.vector_load %arg5[%swap3A_405, %swap3A_406, %swap3A_407, %swap3A_408] {strides = array<i32>} : memref<7x1x8x128xi32, #tpu.memory_space<vmem>>, vector<16xi32>,
        tpu.vector_store %arg5[%swap3A_405, %swap3A_406, %swap3A_407, %swap3A_408], %mul3A_403 {strides = array<i32>} : memref<7x1x8x128xi32, #tpu.memory_space<vmem>>, vector<16xi32>,
        %get3A_410 = arith.constant 0 : i32
        %get3A_411 = arith.index_cast %div3A_304 : i32 to index
        %get3A_412 = arith.index_cast %get3A_410 : i32 to index
        %get3A_413 = arith.index_cast %rem3A_306 : i32 to index
        %get3A_414 = arith.constant 112 : index
        %get3A_415 = tpu.vector_load %arg5[%get3A_411, %get3A_412, %get3A_413, %get3A_414] {strides = array<i32>} : memref<7x1x8x128xi32, #tpu.memory_space<vmem>>, vector<16xi32>,
        %mul3A_416 = arith.constant 2 : i32
        %mul3A_417 = vector.broadcast %mul3A_416 : i32 to vector<16xi32>
        %mul3A_418 = arith.muli %get3A_415, %mul3A_417 : vector<16xi32>
        %swap3A_419 = arith.constant 0 : i32
        %swap3A_420 = arith.index_cast %div3A_304 : i32 to index
        %swap3A_421 = arith.index_cast %swap3A_419 : i32 to index
        %swap3A_422 = arith.index_cast %rem3A_306 : i32 to index
        %swap3A_423 = arith.constant 112 : index
        %swap3A_424 = tpu.vector_load %arg5[%swap3A_420, %swap3A_421, %swap3A_422, %swap3A_423] {strides = array<i32>} : memref<7x1x8x128xi32, #tpu.memory_space<vmem>>, vector<16xi32>,
        tpu.vector_store %arg5[%swap3A_420, %swap3A_421, %swap3A_422, %swap3A_423], %mul3A_418 {strides = array<i32>} : memref<7x1x8x128xi32, #tpu.memory_space<vmem>>, vector<16xi32>,
      }
      %scan3A_242 = arith.constant 50 : i32
      %div3A_243 = arith.constant 0 : i32
      %div3A_244 = arith.constant 8 : i32
      %div3A_245 = arith.divsi %div3A_243, %div3A_244 : i32
      %rem3A_246 = arith.constant 0 : i32
      %rem3A_247 = arith.constant 8 : i32
      %rem3A_248 = arith.remsi %rem3A_246, %rem3A_247 : i32
      %dma_start3A = arith.constant 0 : i32
      %dma_start3A_249 = arith.constant 0 : i32
      %dma_start3A_250 = tpu.memref_slice %arg5[%div3A_245, %dma_start3A, %rem3A_248, %dma_start3A_249] : memref<7x1x8x128xi32, #tpu.memory_space<vmem>> -> memref<1x1x1x128xi32, #tpu.memory_space<vmem>>
      %dma_start3A_251 = tpu.memref_squeeze %dma_start3A_250 : memref<1x1x1x128xi32, #tpu.memory_space<vmem>> -> memref<128xi32, #tpu.memory_space<vmem>>
      %dma_start3A_252 = arith.constant 0 : i32
      %dma_start3A_253 = arith.constant 0 : i32
      %dma_start3A_254 = tpu.memref_slice %arg2[%dma_start3A_252, %dma_start3A_253] : memref<2000000x64xf32, #tpu.memory_space<hbm>> -> memref<2000000x64xf32, #tpu.memory_space<hbm>>
      tpu.enqueue_indirect_dma source(%dma_start3A_254 : memref<2000000x64xf32, #tpu.memory_space<hbm>>) target(%arg6 : memref<128x64xf32, #tpu.memory_space<vmem>>) offsets(%dma_start3A_251 : memref<128xi32, #tpu.memory_space<vmem>>) semaphore(%arg10 : memref<!tpu.dma_semaphore, #tpu.memory_space<semaphore_mem>>)
      %scan3A_255 = arith.constant 0 : i32
      %scan3A_256 = arith.constant 0 : i32
      %scan3A_257 = arith.constant 50 : i32
      %scan3A_258 = arith.addi %scan3A_256, %scan3A_257 : i32
      %scan3A_259 = arith.constant 1 : i32
      scf.for %scan3A_302 = %scan3A_256 to %scan3A_258 step %scan3A_259  : i32 {
        %rem3A_303 = arith.constant 2 : i32
        %rem3A_304 = arith.remsi %scan3A_302, %rem3A_303 : i32
        %eq3A_305 = arith.constant 0 : i32
        %eq3A_306 = arith.cmpi eq, %rem3A_304, %eq3A_305 : i32
        %convert_element_type3A = arith.extui %eq3A_306 : i1 to i32
        %cond3A = arith.constant 0 : i32
        %cond3A_307 = arith.cmpi ne, %convert_element_type3A, %cond3A : i32
        scf.if %cond3A_307 {
          %add3A_315 = arith.constant 1 : i32
          %add3A_316 = arith.addi %scan3A_302, %add3A_315 : i32
          %lt3A_317 = arith.constant 50 : i32
          %lt3A_318 = arith.cmpi slt, %add3A_316, %lt3A_317 : i32
          %convert_element_type3A_319 = arith.extui %lt3A_318 : i1 to i32
          %cond3A_320 = arith.constant 0 : i32
          %cond3A_321 = arith.cmpi ne, %convert_element_type3A_319, %cond3A_320 : i32
          scf.if %cond3A_321 {
            %add3A_359 = arith.constant 1 : i32
            %add3A_360 = arith.addi %scan3A_302, %add3A_359 : i32
            %div3A_361 = arith.constant 8 : i32
            %div3A_362 = arith.divsi %add3A_360, %div3A_361 : i32
            %rem3A_363 = arith.constant 8 : i32
            %rem3A_364 = arith.remsi %add3A_360, %rem3A_363 : i32
            %dma_start3A_365 = arith.constant 0 : i32
            %dma_start3A_366 = arith.constant 0 : i32
            %dma_start3A_367 = tpu.memref_slice %arg5[%div3A_362, %dma_start3A_365, %rem3A_364, %dma_start3A_366] : memref<7x1x8x128xi32, #tpu.memory_space<vmem>> -> memref<1x1x1x128xi32, #tpu.memory_space<vmem>>
            %dma_start3A_368 = tpu.memref_squeeze %dma_start3A_367 : memref<1x1x1x128xi32, #tpu.memory_space<vmem>> -> memref<128xi32, #tpu.memory_space<vmem>>
            %dma_start3A_369 = arith.constant 0 : i32
            %dma_start3A_370 = arith.constant 0 : i32
            %dma_start3A_371 = tpu.memref_slice %arg2[%dma_start3A_369, %dma_start3A_370] : memref<2000000x64xf32, #tpu.memory_space<hbm>> -> memref<2000000x64xf32, #tpu.memory_space<hbm>>
            tpu.enqueue_indirect_dma source(%dma_start3A_371 : memref<2000000x64xf32, #tpu.memory_space<hbm>>) target(%arg7 : memref<128x64xf32, #tpu.memory_space<vmem>>) offsets(%dma_start3A_368 : memref<128xi32, #tpu.memory_space<vmem>>) semaphore(%arg11 : memref<!tpu.dma_semaphore, #tpu.memory_space<semaphore_mem>>)
          } else {
          }
          %ge3A = arith.constant 2 : i32
          %ge3A_322 = arith.cmpi sge, %scan3A_302, %ge3A : i32
          %convert_element_type3A_323 = arith.extui %ge3A_322 : i1 to i32
          %cond3A_324 = arith.constant 0 : i32
          %cond3A_325 = arith.cmpi ne, %convert_element_type3A_323, %cond3A_324 : i32
          scf.if %cond3A_325 {
            %sub3A_359 = arith.constant 2 : i32
            %sub3A_360 = arith.subi %scan3A_302, %sub3A_359 : i32
            %dma_wait3A_361 = arith.constant 0 : i32
            %dma_wait3A_362 = arith.constant 0 : i32
            %dma_wait3A_363 = arith.constant 0 : i32
            %dma_wait3A_364 = arith.constant 0 : i32
            %dma_wait3A_365 = tpu.memref_slice %arg8[%dma_wait3A_361, %dma_wait3A_362, %dma_wait3A_363, %dma_wait3A_364] : memref<8x1x8x129xf32, #tpu.memory_space<vmem>> -> memref<8x1x8x128xf32, #tpu.memory_space<vmem>>
            %dma_wait3A_366 = arith.constant 0 : i32
            %dma_wait3A_367 = arith.constant 0 : i32
            %dma_wait3A_368 = arith.constant 0 : i32
            %dma_wait3A_369 = tpu.memref_slice %arg4[%sub3A_360, %dma_wait3A_366, %add3A_236, %dma_wait3A_367, %dma_wait3A_368] : memref<50x8x128x8x128xf32, #tpu.memory_space<hbm>> -> memref<1x8x1x8x128xf32, #tpu.memory_space<hbm>>
            %dma_wait3A_370 = tpu.memref_squeeze %dma_wait3A_369 : memref<1x8x1x8x128xf32, #tpu.memory_space<hbm>> -> memref<8x1x8x128xf32, #tpu.memory_space<hbm>>
            %dma_wait3A_371 = arith.constant 0 : i32
            %dma_wait3A_372 = arith.constant 0 : i32
            %dma_wait3A_373 = arith.constant 0 : i32
            %dma_wait3A_374 = tpu.memref_slice %arg4[%sub3A_360, %dma_wait3A_371, %add3A_236, %dma_wait3A_372, %dma_wait3A_373] : memref<50x8x128x8x128xf32, #tpu.memory_space<hbm>> -> memref<1x8x1x8x128xf32, #tpu.memory_space<hbm>>
            %dma_wait3A_375 = tpu.memref_squeeze %dma_wait3A_374 : memref<1x8x1x8x128xf32, #tpu.memory_space<hbm>> -> memref<8x1x8x128xf32, #tpu.memory_space<hbm>>
            %dma_wait3A_376 = arith.constant 0 : i32
            %dma_wait3A_377 = arith.constant 0 : i32
            %dma_wait3A_378 = arith.constant 0 : i32
            %dma_wait3A_379 = arith.constant 0 : i32
            %dma_wait3A_380 = tpu.memref_slice %arg8[%dma_wait3A_376, %dma_wait3A_377, %dma_wait3A_378, %dma_wait3A_379] : memref<8x1x8x129xf32, #tpu.memory_space<vmem>> -> memref<8x1x8x128xf32, #tpu.memory_space<vmem>>
            tpu.wait_dma2 semaphore(%arg12 : memref<!tpu.dma_semaphore, #tpu.memory_space<semaphore_mem>>) src(%dma_wait3A_380 : memref<8x1x8x128xf32, #tpu.memory_space<vmem>>) dst(%dma_wait3A_375 : memref<8x1x8x128xf32, #tpu.memory_space<hbm>>)
          } else {
          }
          %div3A_326 = arith.constant 8 : i32
          %div3A_327 = arith.divsi %scan3A_302, %div3A_326 : i32
          %rem3A_328 = arith.constant 8 : i32
          %rem3A_329 = arith.remsi %scan3A_302, %rem3A_328 : i32
          %dma_wait3A_330 = arith.constant 0 : i32
          %dma_wait3A_331 = arith.constant 0 : i32
          %dma_wait3A_332 = tpu.memref_slice %arg5[%div3A_327, %dma_wait3A_330, %rem3A_329, %dma_wait3A_331] : memref<7x1x8x128xi32, #tpu.memory_space<vmem>> -> memref<1x1x1x128xi32, #tpu.memory_space<vmem>>
          %dma_wait3A_333 = tpu.memref_squeeze %dma_wait3A_332 : memref<1x1x1x128xi32, #tpu.memory_space<vmem>> -> memref<128xi32, #tpu.memory_space<vmem>>
          %dma_wait3A_334 = arith.constant 0 : i32
          %dma_wait3A_335 = arith.constant 0 : i32
          %dma_wait3A_336 = tpu.memref_slice %arg2[%dma_wait3A_334, %dma_wait3A_335] : memref<2000000x64xf32, #tpu.memory_space<hbm>> -> memref<2000000x64xf32, #tpu.memory_space<hbm>>
          tpu.wait_indirect_dma semaphore(%arg10 : memref<!tpu.dma_semaphore, #tpu.memory_space<semaphore_mem>>) src(%dma_wait3A_336 : memref<2000000x64xf32, #tpu.memory_space<hbm>>) dst(%arg6 : memref<128x64xf32, #tpu.memory_space<vmem>>)
          %parallel_loop3A = arith.constant 0 : i32
          %parallel_loop3A_337 = arith.constant 128 : i32
          %parallel_loop3A_338 = arith.constant 1 : i32
          scf.for %parallel_loop3A_359 = %parallel_loop3A to %parallel_loop3A_337 step %parallel_loop3A_338  : i32 {
            %parallel_loop3A_360 = vector.broadcast %parallel_loop3A_359 : i32 to vector<16xi32>
            %parallel_loop3A_361 = arith.index_cast %parallel_loop3A_359 : i32 to index
            %parallel_loop3A_362 = arith.constant 0 : index
            %parallel_loop3A_363 = tpu.vector_load %arg6[%parallel_loop3A_361, %parallel_loop3A_362] {strides = array<i32>} : memref<128x64xf32, #tpu.memory_space<vmem>>, vector<16xf32>,
            %parallel_loop3A_364 = arith.constant 8.000000e+00 : f32
            %parallel_loop3A_365 = vector.broadcast %parallel_loop3A_364 : f32 to vector<16xf32>
            %parallel_loop3A_366 = arith.mulf %parallel_loop3A_363, %parallel_loop3A_365 : vector<16xf32>
            %parallel_loop3A_367 = arith.index_cast %parallel_loop3A_359 : i32 to index
            %parallel_loop3A_368 = arith.constant 16 : index
            %parallel_loop3A_369 = tpu.vector_load %arg6[%parallel_loop3A_367, %parallel_loop3A_368] {strides = array<i32>} : memref<128x64xf32, #tpu.memory_space<vmem>>, vector<16xf32>,
            %parallel_loop3A_370 = arith.constant 8.000000e+00 : f32
            %parallel_loop3A_371 = vector.broadcast %parallel_loop3A_370 : f32 to vector<16xf32>
            %parallel_loop3A_372 = arith.mulf %parallel_loop3A_369, %parallel_loop3A_371 : vector<16xf32>
            %parallel_loop3A_373 = arith.index_cast %parallel_loop3A_359 : i32 to index
            %parallel_loop3A_374 = arith.constant 32 : index
            %parallel_loop3A_375 = tpu.vector_load %arg6[%parallel_loop3A_373, %parallel_loop3A_374] {strides = array<i32>} : memref<128x64xf32, #tpu.memory_space<vmem>>, vector<16xf32>,
            %parallel_loop3A_376 = arith.constant 8.000000e+00 : f32
            %parallel_loop3A_377 = vector.broadcast %parallel_loop3A_376 : f32 to vector<16xf32>
            %parallel_loop3A_378 = arith.mulf %parallel_loop3A_375, %parallel_loop3A_377 : vector<16xf32>
            %parallel_loop3A_379 = arith.index_cast %parallel_loop3A_359 : i32 to index
            %parallel_loop3A_380 = arith.constant 48 : index
            %parallel_loop3A_381 = tpu.vector_load %arg6[%parallel_loop3A_379, %parallel_loop3A_380] {strides = array<i32>} : memref<128x64xf32, #tpu.memory_space<vmem>>, vector<16xf32>,
            %parallel_loop3A_382 = arith.constant 8.000000e+00 : f32
            %parallel_loop3A_383 = vector.broadcast %parallel_loop3A_382 : f32 to vector<16xf32>
            %parallel_loop3A_384 = arith.mulf %parallel_loop3A_381, %parallel_loop3A_383 : vector<16xf32>
            tpu.vector_store_idx %arg8[%select_n3A, %broadcast_in_dim3A_227, %select_n3A_151, %parallel_loop3A_360], %parallel_loop3A_366 : memref<8x1x8x129xf32, #tpu.memory_space<vmem>>[vector<16xi32>, vector<16xi32>, vector<16xi32>, vector<16xi32>], vector<16xf32>,
            tpu.vector_store_idx %arg8[%select_n3A_60, %broadcast_in_dim3A_227, %select_n3A_176, %parallel_loop3A_360], %parallel_loop3A_372 : memref<8x1x8x129xf32, #tpu.memory_space<vmem>>[vector<16xi32>, vector<16xi32>, vector<16xi32>, vector<16xi32>], vector<16xf32>,
            tpu.vector_store_idx %arg8[%select_n3A_94, %broadcast_in_dim3A_227, %select_n3A_201, %parallel_loop3A_360], %parallel_loop3A_378 : memref<8x1x8x129xf32, #tpu.memory_space<vmem>>[vector<16xi32>, vector<16xi32>, vector<16xi32>, vector<16xi32>], vector<16xf32>,
            tpu.vector_store_idx %arg8[%select_n3A_128, %broadcast_in_dim3A_227, %select_n3A_226, %parallel_loop3A_360], %parallel_loop3A_384 : memref<8x1x8x129xf32, #tpu.memory_space<vmem>>[vector<16xi32>, vector<16xi32>, vector<16xi32>, vector<16xi32>], vector<16xf32>,
          } {sc.loop_unroll_factor = 2 : i64, sc.parallel_access}
          %dma_start3A_339 = arith.constant 0 : i32
          %dma_start3A_340 = arith.constant 0 : i32
          %dma_start3A_341 = arith.constant 0 : i32
          %dma_start3A_342 = arith.constant 0 : i32
          %dma_start3A_343 = tpu.memref_slice %arg8[%dma_start3A_339, %dma_start3A_340, %dma_start3A_341, %dma_start3A_342] : memref<8x1x8x129xf32, #tpu.memory_space<vmem>> -> memref<8x1x8x128xf32, #tpu.memory_space<vmem>>
          %dma_start3A_344 = arith.constant 0 : i32
          %dma_start3A_345 = arith.constant 0 : i32
          %dma_start3A_346 = arith.constant 0 : i32
          %dma_start3A_347 = tpu.memref_slice %arg4[%scan3A_302, %dma_start3A_344, %add3A_236, %dma_start3A_345, %dma_start3A_346] : memref<50x8x128x8x128xf32, #tpu.memory_space<hbm>> -> memref<1x8x1x8x128xf32, #tpu.memory_space<hbm>>
          %dma_start3A_348 = tpu.memref_squeeze %dma_start3A_347 : memref<1x8x1x8x128xf32, #tpu.memory_space<hbm>> -> memref<8x1x8x128xf32, #tpu.memory_space<hbm>>
          %dma_start3A_349 = arith.constant 0 : i32
          %dma_start3A_350 = arith.constant 0 : i32
          %dma_start3A_351 = arith.constant 0 : i32
          %dma_start3A_352 = tpu.memref_slice %arg4[%scan3A_302, %dma_start3A_349, %add3A_236, %dma_start3A_350, %dma_start3A_351] : memref<50x8x128x8x128xf32, #tpu.memory_space<hbm>> -> memref<1x8x1x8x128xf32, #tpu.memory_space<hbm>>
          %dma_start3A_353 = tpu.memref_squeeze %dma_start3A_352 : memref<1x8x1x8x128xf32, #tpu.memory_space<hbm>> -> memref<8x1x8x128xf32, #tpu.memory_space<hbm>>
          %dma_start3A_354 = arith.constant 0 : i32
          %dma_start3A_355 = arith.constant 0 : i32
          %dma_start3A_356 = arith.constant 0 : i32
          %dma_start3A_357 = arith.constant 0 : i32
          %dma_start3A_358 = tpu.memref_slice %arg8[%dma_start3A_354, %dma_start3A_355, %dma_start3A_356, %dma_start3A_357] : memref<8x1x8x129xf32, #tpu.memory_space<vmem>> -> memref<8x1x8x128xf32, #tpu.memory_space<vmem>>
          tpu.enqueue_dma source(%dma_start3A_358 : memref<8x1x8x128xf32, #tpu.memory_space<vmem>>) target(%dma_start3A_353 : memref<8x1x8x128xf32, #tpu.memory_space<hbm>>) target_semaphore(%arg12 : memref<!tpu.dma_semaphore, #tpu.memory_space<semaphore_mem>>)
        } else {
        }
        %rem3A_308 = arith.constant 2 : i32
        %rem3A_309 = arith.remsi %scan3A_302, %rem3A_308 : i32
        %eq3A_310 = arith.constant 1 : i32
        %eq3A_311 = arith.cmpi eq, %rem3A_309, %eq3A_310 : i32
        %convert_element_type3A_312 = arith.extui %eq3A_311 : i1 to i32
        %cond3A_313 = arith.constant 0 : i32
        %cond3A_314 = arith.cmpi ne, %convert_element_type3A_312, %cond3A_313 : i32
        scf.if %cond3A_314 {
          %add3A_315 = arith.constant 1 : i32
          %add3A_316 = arith.addi %scan3A_302, %add3A_315 : i32
          %lt3A_317 = arith.constant 50 : i32
          %lt3A_318 = arith.cmpi slt, %add3A_316, %lt3A_317 : i32
          %convert_element_type3A_319 = arith.extui %lt3A_318 : i1 to i32
          %cond3A_320 = arith.constant 0 : i32
          %cond3A_321 = arith.cmpi ne, %convert_element_type3A_319, %cond3A_320 : i32
          scf.if %cond3A_321 {
            %add3A_359 = arith.constant 1 : i32
            %add3A_360 = arith.addi %scan3A_302, %add3A_359 : i32
            %div3A_361 = arith.constant 8 : i32
            %div3A_362 = arith.divsi %add3A_360, %div3A_361 : i32
            %rem3A_363 = arith.constant 8 : i32
            %rem3A_364 = arith.remsi %add3A_360, %rem3A_363 : i32
            %dma_start3A_365 = arith.constant 0 : i32
            %dma_start3A_366 = arith.constant 0 : i32
            %dma_start3A_367 = tpu.memref_slice %arg5[%div3A_362, %dma_start3A_365, %rem3A_364, %dma_start3A_366] : memref<7x1x8x128xi32, #tpu.memory_space<vmem>> -> memref<1x1x1x128xi32, #tpu.memory_space<vmem>>
            %dma_start3A_368 = tpu.memref_squeeze %dma_start3A_367 : memref<1x1x1x128xi32, #tpu.memory_space<vmem>> -> memref<128xi32, #tpu.memory_space<vmem>>
            %dma_start3A_369 = arith.constant 0 : i32
            %dma_start3A_370 = arith.constant 0 : i32
            %dma_start3A_371 = tpu.memref_slice %arg2[%dma_start3A_369, %dma_start3A_370] : memref<2000000x64xf32, #tpu.memory_space<hbm>> -> memref<2000000x64xf32, #tpu.memory_space<hbm>>
            tpu.enqueue_indirect_dma source(%dma_start3A_371 : memref<2000000x64xf32, #tpu.memory_space<hbm>>) target(%arg6 : memref<128x64xf32, #tpu.memory_space<vmem>>) offsets(%dma_start3A_368 : memref<128xi32, #tpu.memory_space<vmem>>) semaphore(%arg10 : memref<!tpu.dma_semaphore, #tpu.memory_space<semaphore_mem>>)
          } else {
          }
          %ge3A = arith.constant 2 : i32
          %ge3A_322 = arith.cmpi sge, %scan3A_302, %ge3A : i32
          %convert_element_type3A_323 = arith.extui %ge3A_322 : i1 to i32
          %cond3A_324 = arith.constant 0 : i32
          %cond3A_325 = arith.cmpi ne, %convert_element_type3A_323, %cond3A_324 : i32
          scf.if %cond3A_325 {
            %sub3A_359 = arith.constant 2 : i32
            %sub3A_360 = arith.subi %scan3A_302, %sub3A_359 : i32
            %dma_wait3A_361 = arith.constant 0 : i32
            %dma_wait3A_362 = arith.constant 0 : i32
            %dma_wait3A_363 = arith.constant 0 : i32
            %dma_wait3A_364 = arith.constant 0 : i32
            %dma_wait3A_365 = tpu.memref_slice %arg9[%dma_wait3A_361, %dma_wait3A_362, %dma_wait3A_363, %dma_wait3A_364] : memref<8x1x8x129xf32, #tpu.memory_space<vmem>> -> memref<8x1x8x128xf32, #tpu.memory_space<vmem>>
            %dma_wait3A_366 = arith.constant 0 : i32
            %dma_wait3A_367 = arith.constant 0 : i32
            %dma_wait3A_368 = arith.constant 0 : i32
            %dma_wait3A_369 = tpu.memref_slice %arg4[%sub3A_360, %dma_wait3A_366, %add3A_236, %dma_wait3A_367, %dma_wait3A_368] : memref<50x8x128x8x128xf32, #tpu.memory_space<hbm>> -> memref<1x8x1x8x128xf32, #tpu.memory_space<hbm>>
            %dma_wait3A_370 = tpu.memref_squeeze %dma_wait3A_369 : memref<1x8x1x8x128xf32, #tpu.memory_space<hbm>> -> memref<8x1x8x128xf32, #tpu.memory_space<hbm>>
            %dma_wait3A_371 = arith.constant 0 : i32
            %dma_wait3A_372 = arith.constant 0 : i32
            %dma_wait3A_373 = arith.constant 0 : i32
            %dma_wait3A_374 = tpu.memref_slice %arg4[%sub3A_360, %dma_wait3A_371, %add3A_236, %dma_wait3A_372, %dma_wait3A_373] : memref<50x8x128x8x128xf32, #tpu.memory_space<hbm>> -> memref<1x8x1x8x128xf32, #tpu.memory_space<hbm>>
            %dma_wait3A_375 = tpu.memref_squeeze %dma_wait3A_374 : memref<1x8x1x8x128xf32, #tpu.memory_space<hbm>> -> memref<8x1x8x128xf32, #tpu.memory_space<hbm>>
            %dma_wait3A_376 = arith.constant 0 : i32
            %dma_wait3A_377 = arith.constant 0 : i32
            %dma_wait3A_378 = arith.constant 0 : i32
            %dma_wait3A_379 = arith.constant 0 : i32
            %dma_wait3A_380 = tpu.memref_slice %arg9[%dma_wait3A_376, %dma_wait3A_377, %dma_wait3A_378, %dma_wait3A_379] : memref<8x1x8x129xf32, #tpu.memory_space<vmem>> -> memref<8x1x8x128xf32, #tpu.memory_space<vmem>>
            tpu.wait_dma2 semaphore(%arg13 : memref<!tpu.dma_semaphore, #tpu.memory_space<semaphore_mem>>) src(%dma_wait3A_380 : memref<8x1x8x128xf32, #tpu.memory_space<vmem>>) dst(%dma_wait3A_375 : memref<8x1x8x128xf32, #tpu.memory_space<hbm>>)
          } else {
          }
          %div3A_326 = arith.constant 8 : i32
          %div3A_327 = arith.divsi %scan3A_302, %div3A_326 : i32
          %rem3A_328 = arith.constant 8 : i32
          %rem3A_329 = arith.remsi %scan3A_302, %rem3A_328 : i32
          %dma_wait3A_330 = arith.constant 0 : i32
          %dma_wait3A_331 = arith.constant 0 : i32
          %dma_wait3A_332 = tpu.memref_slice %arg5[%div3A_327, %dma_wait3A_330, %rem3A_329, %dma_wait3A_331] : memref<7x1x8x128xi32, #tpu.memory_space<vmem>> -> memref<1x1x1x128xi32, #tpu.memory_space<vmem>>
          %dma_wait3A_333 = tpu.memref_squeeze %dma_wait3A_332 : memref<1x1x1x128xi32, #tpu.memory_space<vmem>> -> memref<128xi32, #tpu.memory_space<vmem>>
          %dma_wait3A_334 = arith.constant 0 : i32
          %dma_wait3A_335 = arith.constant 0 : i32
          %dma_wait3A_336 = tpu.memref_slice %arg2[%dma_wait3A_334, %dma_wait3A_335] : memref<2000000x64xf32, #tpu.memory_space<hbm>> -> memref<2000000x64xf32, #tpu.memory_space<hbm>>
          tpu.wait_indirect_dma semaphore(%arg11 : memref<!tpu.dma_semaphore, #tpu.memory_space<semaphore_mem>>) src(%dma_wait3A_336 : memref<2000000x64xf32, #tpu.memory_space<hbm>>) dst(%arg7 : memref<128x64xf32, #tpu.memory_space<vmem>>)
          %parallel_loop3A = arith.constant 0 : i32
          %parallel_loop3A_337 = arith.constant 128 : i32
          %parallel_loop3A_338 = arith.constant 1 : i32
          scf.for %parallel_loop3A_359 = %parallel_loop3A to %parallel_loop3A_337 step %parallel_loop3A_338  : i32 {
            %parallel_loop3A_360 = vector.broadcast %parallel_loop3A_359 : i32 to vector<16xi32>
            %parallel_loop3A_361 = arith.index_cast %parallel_loop3A_359 : i32 to index
            %parallel_loop3A_362 = arith.constant 0 : index
            %parallel_loop3A_363 = tpu.vector_load %arg7[%parallel_loop3A_361, %parallel_loop3A_362] {strides = array<i32>} : memref<128x64xf32, #tpu.memory_space<vmem>>, vector<16xf32>,
            %parallel_loop3A_364 = arith.constant 8.000000e+00 : f32
            %parallel_loop3A_365 = vector.broadcast %parallel_loop3A_364 : f32 to vector<16xf32>
            %parallel_loop3A_366 = arith.mulf %parallel_loop3A_363, %parallel_loop3A_365 : vector<16xf32>
            %parallel_loop3A_367 = arith.index_cast %parallel_loop3A_359 : i32 to index
            %parallel_loop3A_368 = arith.constant 16 : index
            %parallel_loop3A_369 = tpu.vector_load %arg7[%parallel_loop3A_367, %parallel_loop3A_368] {strides = array<i32>} : memref<128x64xf32, #tpu.memory_space<vmem>>, vector<16xf32>,
            %parallel_loop3A_370 = arith.constant 8.000000e+00 : f32
            %parallel_loop3A_371 = vector.broadcast %parallel_loop3A_370 : f32 to vector<16xf32>
            %parallel_loop3A_372 = arith.mulf %parallel_loop3A_369, %parallel_loop3A_371 : vector<16xf32>
            %parallel_loop3A_373 = arith.index_cast %parallel_loop3A_359 : i32 to index
            %parallel_loop3A_374 = arith.constant 32 : index
            %parallel_loop3A_375 = tpu.vector_load %arg7[%parallel_loop3A_373, %parallel_loop3A_374] {strides = array<i32>} : memref<128x64xf32, #tpu.memory_space<vmem>>, vector<16xf32>,
            %parallel_loop3A_376 = arith.constant 8.000000e+00 : f32
            %parallel_loop3A_377 = vector.broadcast %parallel_loop3A_376 : f32 to vector<16xf32>
            %parallel_loop3A_378 = arith.mulf %parallel_loop3A_375, %parallel_loop3A_377 : vector<16xf32>
            %parallel_loop3A_379 = arith.index_cast %parallel_loop3A_359 : i32 to index
            %parallel_loop3A_380 = arith.constant 48 : index
            %parallel_loop3A_381 = tpu.vector_load %arg7[%parallel_loop3A_379, %parallel_loop3A_380] {strides = array<i32>} : memref<128x64xf32, #tpu.memory_space<vmem>>, vector<16xf32>,
            %parallel_loop3A_382 = arith.constant 8.000000e+00 : f32
            %parallel_loop3A_383 = vector.broadcast %parallel_loop3A_382 : f32 to vector<16xf32>
            %parallel_loop3A_384 = arith.mulf %parallel_loop3A_381, %parallel_loop3A_383 : vector<16xf32>
            tpu.vector_store_idx %arg9[%select_n3A, %broadcast_in_dim3A_227, %select_n3A_151, %parallel_loop3A_360], %parallel_loop3A_366 : memref<8x1x8x129xf32, #tpu.memory_space<vmem>>[vector<16xi32>, vector<16xi32>, vector<16xi32>, vector<16xi32>], vector<16xf32>,
            tpu.vector_store_idx %arg9[%select_n3A_60, %broadcast_in_dim3A_227, %select_n3A_176, %parallel_loop3A_360], %parallel_loop3A_372 : memref<8x1x8x129xf32, #tpu.memory_space<vmem>>[vector<16xi32>, vector<16xi32>, vector<16xi32>, vector<16xi32>], vector<16xf32>,
            tpu.vector_store_idx %arg9[%select_n3A_94, %broadcast_in_dim3A_227, %select_n3A_201, %parallel_loop3A_360], %parallel_loop3A_378 : memref<8x1x8x129xf32, #tpu.memory_space<vmem>>[vector<16xi32>, vector<16xi32>, vector<16xi32>, vector<16xi32>], vector<16xf32>,
            tpu.vector_store_idx %arg9[%select_n3A_128, %broadcast_in_dim3A_227, %select_n3A_226, %parallel_loop3A_360], %parallel_loop3A_384 : memref<8x1x8x129xf32, #tpu.memory_space<vmem>>[vector<16xi32>, vector<16xi32>, vector<16xi32>, vector<16xi32>], vector<16xf32>,
          } {sc.loop_unroll_factor = 2 : i64, sc.parallel_access}
          %dma_start3A_339 = arith.constant 0 : i32
          %dma_start3A_340 = arith.constant 0 : i32
          %dma_start3A_341 = arith.constant 0 : i32
          %dma_start3A_342 = arith.constant 0 : i32
          %dma_start3A_343 = tpu.memref_slice %arg9[%dma_start3A_339, %dma_start3A_340, %dma_start3A_341, %dma_start3A_342] : memref<8x1x8x129xf32, #tpu.memory_space<vmem>> -> memref<8x1x8x128xf32, #tpu.memory_space<vmem>>
          %dma_start3A_344 = arith.constant 0 : i32
          %dma_start3A_345 = arith.constant 0 : i32
          %dma_start3A_346 = arith.constant 0 : i32
          %dma_start3A_347 = tpu.memref_slice %arg4[%scan3A_302, %dma_start3A_344, %add3A_236, %dma_start3A_345, %dma_start3A_346] : memref<50x8x128x8x128xf32, #tpu.memory_space<hbm>> -> memref<1x8x1x8x128xf32, #tpu.memory_space<hbm>>
          %dma_start3A_348 = tpu.memref_squeeze %dma_start3A_347 : memref<1x8x1x8x128xf32, #tpu.memory_space<hbm>> -> memref<8x1x8x128xf32, #tpu.memory_space<hbm>>
          %dma_start3A_349 = arith.constant 0 : i32
          %dma_start3A_350 = arith.constant 0 : i32
          %dma_start3A_351 = arith.constant 0 : i32
          %dma_start3A_352 = tpu.memref_slice %arg4[%scan3A_302, %dma_start3A_349, %add3A_236, %dma_start3A_350, %dma_start3A_351] : memref<50x8x128x8x128xf32, #tpu.memory_space<hbm>> -> memref<1x8x1x8x128xf32, #tpu.memory_space<hbm>>
          %dma_start3A_353 = tpu.memref_squeeze %dma_start3A_352 : memref<1x8x1x8x128xf32, #tpu.memory_space<hbm>> -> memref<8x1x8x128xf32, #tpu.memory_space<hbm>>
          %dma_start3A_354 = arith.constant 0 : i32
          %dma_start3A_355 = arith.constant 0 : i32
          %dma_start3A_356 = arith.constant 0 : i32
          %dma_start3A_357 = arith.constant 0 : i32
          %dma_start3A_358 = tpu.memref_slice %arg9[%dma_start3A_354, %dma_start3A_355, %dma_start3A_356, %dma_start3A_357] : memref<8x1x8x129xf32, #tpu.memory_space<vmem>> -> memref<8x1x8x128xf32, #tpu.memory_space<vmem>>
          tpu.enqueue_dma source(%dma_start3A_358 : memref<8x1x8x128xf32, #tpu.memory_space<vmem>>) target(%dma_start3A_353 : memref<8x1x8x128xf32, #tpu.memory_space<hbm>>) target_semaphore(%arg13 : memref<!tpu.dma_semaphore, #tpu.memory_space<semaphore_mem>>)
        } else {
        }
      }
      %scan3A_260 = arith.constant 50 : i32
      %dma_wait3A = arith.constant 48 : i32
      %dma_wait3A_261 = arith.constant 0 : i32
      %dma_wait3A_262 = arith.constant 0 : i32
      %dma_wait3A_263 = arith.constant 0 : i32
      %dma_wait3A_264 = arith.constant 0 : i32
      %dma_wait3A_265 = tpu.memref_slice %arg8[%dma_wait3A_261, %dma_wait3A_262, %dma_wait3A_263, %dma_wait3A_264] : memref<8x1x8x129xf32, #tpu.memory_space<vmem>> -> memref<8x1x8x128xf32, #tpu.memory_space<vmem>>
      %dma_wait3A_266 = arith.constant 0 : i32
      %dma_wait3A_267 = arith.constant 0 : i32
      %dma_wait3A_268 = arith.constant 0 : i32
      %dma_wait3A_269 = tpu.memref_slice %arg4[%dma_wait3A, %dma_wait3A_266, %add3A_236, %dma_wait3A_267, %dma_wait3A_268] : memref<50x8x128x8x128xf32, #tpu.memory_space<hbm>> -> memref<1x8x1x8x128xf32, #tpu.memory_space<hbm>>
      %dma_wait3A_270 = tpu.memref_squeeze %dma_wait3A_269 : memref<1x8x1x8x128xf32, #tpu.memory_space<hbm>> -> memref<8x1x8x128xf32, #tpu.memory_space<hbm>>
      %dma_wait3A_271 = arith.constant 0 : i32
      %dma_wait3A_272 = arith.constant 0 : i32
      %dma_wait3A_273 = arith.constant 0 : i32
      %dma_wait3A_274 = tpu.memref_slice %arg4[%dma_wait3A, %dma_wait3A_271, %add3A_236, %dma_wait3A_272, %dma_wait3A_273] : memref<50x8x128x8x128xf32, #tpu.memory_space<hbm>> -> memref<1x8x1x8x128xf32, #tpu.memory_space<hbm>>
      %dma_wait3A_275 = tpu.memref_squeeze %dma_wait3A_274 : memref<1x8x1x8x128xf32, #tpu.memory_space<hbm>> -> memref<8x1x8x128xf32, #tpu.memory_space<hbm>>
      %dma_wait3A_276 = arith.constant 0 : i32
      %dma_wait3A_277 = arith.constant 0 : i32
      %dma_wait3A_278 = arith.constant 0 : i32
      %dma_wait3A_279 = arith.constant 0 : i32
      %dma_wait3A_280 = tpu.memref_slice %arg8[%dma_wait3A_276, %dma_wait3A_277, %dma_wait3A_278, %dma_wait3A_279] : memref<8x1x8x129xf32, #tpu.memory_space<vmem>> -> memref<8x1x8x128xf32, #tpu.memory_space<vmem>>
      tpu.wait_dma2 semaphore(%arg12 : memref<!tpu.dma_semaphore, #tpu.memory_space<semaphore_mem>>) src(%dma_wait3A_280 : memref<8x1x8x128xf32, #tpu.memory_space<vmem>>) dst(%dma_wait3A_275 : memref<8x1x8x128xf32, #tpu.memory_space<hbm>>)
      %dma_wait3A_281 = arith.constant 49 : i32
      %dma_wait3A_282 = arith.constant 0 : i32
      %dma_wait3A_283 = arith.constant 0 : i32
      %dma_wait3A_284 = arith.constant 0 : i32
      %dma_wait3A_285 = arith.constant 0 : i32
      %dma_wait3A_286 = tpu.memref_slice %arg9[%dma_wait3A_282, %dma_wait3A_283, %dma_wait3A_284, %dma_wait3A_285] : memref<8x1x8x129xf32, #tpu.memory_space<vmem>> -> memref<8x1x8x128xf32, #tpu.memory_space<vmem>>
      %dma_wait3A_287 = arith.constant 0 : i32
      %dma_wait3A_288 = arith.constant 0 : i32
      %dma_wait3A_289 = arith.constant 0 : i32
      %dma_wait3A_290 = tpu.memref_slice %arg4[%dma_wait3A_281, %dma_wait3A_287, %add3A_236, %dma_wait3A_288, %dma_wait3A_289] : memref<50x8x128x8x128xf32, #tpu.memory_space<hbm>> -> memref<1x8x1x8x128xf32, #tpu.memory_space<hbm>>
      %dma_wait3A_291 = tpu.memref_squeeze %dma_wait3A_290 : memref<1x8x1x8x128xf32, #tpu.memory_space<hbm>> -> memref<8x1x8x128xf32, #tpu.memory_space<hbm>>
      %dma_wait3A_292 = arith.constant 0 : i32
      %dma_wait3A_293 = arith.constant 0 : i32
      %dma_wait3A_294 = arith.constant 0 : i32
      %dma_wait3A_295 = tpu.memref_slice %arg4[%dma_wait3A_281, %dma_wait3A_292, %add3A_236, %dma_wait3A_293, %dma_wait3A_294] : memref<50x8x128x8x128xf32, #tpu.memory_space<hbm>> -> memref<1x8x1x8x128xf32, #tpu.memory_space<hbm>>
      %dma_wait3A_296 = tpu.memref_squeeze %dma_wait3A_295 : memref<1x8x1x8x128xf32, #tpu.memory_space<hbm>> -> memref<8x1x8x128xf32, #tpu.memory_space<hbm>>
      %dma_wait3A_297 = arith.constant 0 : i32
      %dma_wait3A_298 = arith.constant 0 : i32
      %dma_wait3A_299 = arith.constant 0 : i32
      %dma_wait3A_300 = arith.constant 0 : i32
      %dma_wait3A_301 = tpu.memref_slice %arg9[%dma_wait3A_297, %dma_wait3A_298, %dma_wait3A_299, %dma_wait3A_300] : memref<8x1x8x129xf32, #tpu.memory_space<vmem>> -> memref<8x1x8x128xf32, #tpu.memory_space<vmem>>
      tpu.wait_dma2 semaphore(%arg13 : memref<!tpu.dma_semaphore, #tpu.memory_space<semaphore_mem>>) src(%dma_wait3A_301 : memref<8x1x8x128xf32, #tpu.memory_space<vmem>>) dst(%dma_wait3A_296 : memref<8x1x8x128xf32, #tpu.memory_space<hbm>>)
    }
    %scan3A_232 = arith.constant 4 : i32
    return
  }
}

</mosaic_0001>

<sc_bundles>
// kernel: kernel.3.cloned.1.call-start
scs
__scs_entry_jumppad:
0x0: {  	(pc) =	sbr.rel $0x88, $3  }
0x1: {  	(tag) =	ssettag $0x0;
	lr =	simm.s32 $0x1  }
0x2: {  	[smem:$0x3F9F] =	sst lr;
	_ =	strace $0xD0000000  }
0x3: {  	_ = 	snop  }
0x4: {  	_ = 	snop  }
0x5: {  	_ = 	snop  }
0x6: {  	_ = 	snop  }
0x7: {  	_ = 	snop  }
__scs_overlays_trampoline_lowered:
0x8: {  	[smem:$0x3FAE] =	sst s0  }
0x9: {  	[smem:$0x3FAF] =	sst s1  }
0xa: {  	[smem:$0x3FB0] =	sst s2  }
0xb: {  	[smem:$0x3FB1] =	sst s3  }
0xc: {  	[smem:$0x3FB2] =	sst s4  }
0xd: {  	[smem:$0x3FB3] =	sst s5  }
0xe: {  	[smem:$0x3FB4] =	sst s6  }
0xf: {  	[smem:$0x3FB5] =	sst s7  }
0x10: {  	[smem:$0x3FB6] =	sst s8  }
0x11: {  	[smem:$0x3FB7] =	sst s9;
	s0 =	simm.s32 @!p0 $0x0  }
0x12: {  	s1 =	sld [smem:$0x3F9D];
	s0 =	simm.s32 @p0 $0x1  }
0x13: {  	[smem:$0x3FB8] =	sst s0;
	s0 =	simm.s32 @!p1 $0x0  }
0x14: {  	s2 =	sld [smem:$0x3F9C];
	s0 =	simm.s32 @p1 $0x1  }
0x15: {  	[smem:$0x3FB9] =	sst s0;
	s0 =	simm.s32 @!p2 $0x0  }
0x16: {  	s3 =	sld [smem:$0x3FDB];
	s0 =	simm.s32 @p2 $0x1  }
0x17: {  	s4 =	simm.s32 $0x1BF5;
	[smem:$0x3FBB] =	sst s0  }
0x18: {  	s0 =	sld [smem:$0x3F9E];
	_ =	swait.ge [sflag:s4], $0x0  }
0x19: {  	s7 =	sld [smem:$0x3F9F]  }
0x1a: {  	s8 =	sadd.s32 $0xFFFFE003, lr  }
0x1b: {  	s9 =	sadd.s32 $0xFFFFFEF7, lr;
	s5 =	simm.s32 $0xFFFFFFFF;
	p2 =	slt.u32 s8, $0xFFFFF086  }
0x1c: {  	p1 =	slt.u32 s9, $0xF7A;
	s5 =	simm.s32 @!p2 $0x0  }
0x1d: {  	s5 =	simm.s32 @p1 $0x1;
	p0 =	seq.s32 s7, s2  }
0x1e: {  	s7 =	smul.u32 @!p0 $0xF7A, s2;
	p2 =	seq.s32 @!p0 s5, $0x0  }
0x1f: {  	s9 =	smul.u32 $0xF7A, s1;
	s8 =	simm.s32 @!p0 $0x1BF5;
	p2 =	por !p2, p0  }
0x20: {  	[sflag:s8] =	ssyncset.s32 @!p0 $0xFFFFF086;
	s6 =	sadd.s32 @!p0 s3, s7;
	s7 =	simm.s32 @!p0 $0x108  }
0x21: {  	s3 =	sadd.s32 s3, s9;
	s6 =	sadd.s32 @!p0 $0x88, s6;
	s7 =	simm.s32 @p2 $0x1082  }
0x22: {  	[simem:s7], [sflag:s8] =	dma.local @!p0 [hbm:s6], $0xF7A  }
0x23: {  	s9 =	sor.u32 $0xD0000000, s2;
	s6 =	simm.s32 $0x108;
	_ =	swait.ge @!p0 [sflag:s8], $0x0  }
0x24: {  	s3 =	sadd.s32 $0x88, s3;
	s6 =	simm.s32 @!p1 $0x1082;
	[sflag:s4] =	ssyncset.s32 $0xFFFFF086  }
0x25: {  	[simem:s6], [sflag:s4] =	dma.local [hbm:s3], $0xF7A  }
0x26: {  	[smem:$0x3F9F] =	sst s1;
	(tag) =	ssettag s2;
	_ =	strace s9  }
0x27: {  	s1 =	sld [smem:$0x3FAF]  }
0x28: {  	s2 =	sld [smem:$0x3FB0]  }
0x29: {  	s4 =	sld [smem:$0x3FB2]  }
0x2a: {  	p0 =	seq.s32 s5, $0x0;
	s5 =	sld [smem:$0x3FB3]  }
0x2b: {  	s6 =	sld [smem:$0x3FB4]  }
0x2c: {  	s7 =	sld [smem:$0x3FB5]  }
0x2d: {  	s3 =	simm.s32 $0x108;
	s8 =	sld [smem:$0x3FB6]  }
0x2e: {  	s3 =	simm.s32 @!p0 $0x1082;
	s9 =	sld [smem:$0x3FB7]  }
0x2f: {  	lr =	sadd.s32 s0, s3;
	s0 =	sld [smem:$0x3FAE]  }
0x30: {  	s3 =	sld [smem:$0x3FB1]  }
0x31: {  	[smem:$0x3FBA] =	sst s10  }
0x32: {  	s10 =	sld [smem:$0x3FB8];
	_ =	sdelay $0x3  }
0x33: {  	p0 =	seq.s32 s10, $0x1;
	s10 =	sld [smem:$0x3FBA];
	_ =	sdelay $0x3  }
0x34: {  	[smem:$0x3FBA] =	sst s10  }
0x35: {  	s10 =	sld [smem:$0x3FB9];
	_ =	sdelay $0x3  }
0x36: {  	p1 =	seq.s32 s10, $0x1;
	s10 =	sld [smem:$0x3FBA];
	_ =	sdelay $0x3  }
0x37: {  	[smem:$0x3FBA] =	sst s10  }
0x38: {  	s10 =	sld [smem:$0x3FBB]  }
0x39: {  	_ = 	snop;
	(pc) =	sbr.ind lr, $3  }
0x3a: {  	_ = 	snop  }
0x3b: {  	_ = 	snop  }
0x3c: {  	p2 =	seq.s32 s10, $0x1;
	s10 =	sld [smem:$0x3FBA]  }
0x3d: {  	_ =	shalt  }
0x3e: {  	_ =	shalt  }
0x3f: {  	_ =	shalt  }
0x40: {  	_ =	shalt  }
0x41: {  	_ =	shalt  }
0x42: {  	_ =	shalt  }
0x43: {  	_ =	shalt  }
0x44: {  	_ =	shalt  }
0x45: {  	_ =	shalt  }
0x46: {  	_ =	shalt  }
0x47: {  	_ =	shalt  }
0x48: {  	_ =	shalt  }
0x49: {  	_ =	shalt  }
0x4a: {  	_ =	shalt  }
0x4b: {  	_ =	shalt  }
0x4c: {  	_ =	shalt  }
0x4d: {  	_ =	shalt  }
0x4e: {  	_ =	shalt  }
0x4f: {  	_ =	shalt  }
0x50: {  	_ =	shalt  }
0x51: {  	_ =	shalt  }
0x52: {  	_ =	shalt  }
0x53: {  	_ =	shalt  }
0x54: {  	_ =	shalt  }
0x55: {  	_ =	shalt  }
0x56: {  	_ =	shalt  }
0x57: {  	_ =	shalt  }
0x58: {  	_ =	shalt  }
0x59: {  	_ =	shalt  }
0x5a: {  	_ =	shalt  }
0x5b: {  	_ =	shalt  }
0x5c: {  	_ =	shalt  }
0x5d: {  	_ =	shalt  }
0x5e: {  	_ =	shalt  }
0x5f: {  	_ =	shalt  }
0x60: {  	_ =	shalt  }
0x61: {  	_ =	shalt  }
0x62: {  	_ =	shalt  }
0x63: {  	_ =	shalt  }
0x64: {  	_ =	shalt  }
0x65: {  	_ =	shalt  }
0x66: {  	_ =	shalt  }
0x67: {  	_ =	shalt  }
0x68: {  	_ =	shalt  }
0x69: {  	_ =	shalt  }
0x6a: {  	_ =	shalt  }
0x6b: {  	_ =	shalt  }
0x6c: {  	_ =	shalt  }
0x6d: {  	_ =	shalt  }
0x6e: {  	_ =	shalt  }
0x6f: {  	_ =	shalt  }
0x70: {  	_ =	shalt  }
0x71: {  	_ =	shalt  }
0x72: {  	_ =	shalt  }
0x73: {  	_ =	shalt  }
0x74: {  	_ =	shalt  }
0x75: {  	_ =	shalt  }
0x76: {  	_ =	shalt  }
0x77: {  	_ =	shalt  }
0x78: {  	_ =	shalt  }
0x79: {  	_ =	shalt  }
0x7a: {  	_ =	shalt  }
0x7b: {  	_ =	shalt  }
0x7c: {  	_ =	shalt  }
0x7d: {  	_ =	shalt  }
0x7e: {  	_ =	shalt  }
0x7f: {  	_ =	shalt  }
0x80: {  	_ =	shalt  }
0x81: {  	_ =	shalt  }
0x82: {  	_ =	shalt  }
0x83: {  	_ =	shalt  }
0x84: {  	_ =	shalt  }
0x85: {  	_ =	shalt  }
0x86: {  	_ =	shalt  }
0x87: {  	_ =	shalt  }
.Lfunc_end0:
.L_simem_size_0:
called_computation.1_lowered:
.L_overlay_start_0:
0x88: {  	s2 =	sld [smem:$0x3FD9]  }
0x89: {  	s3 =	sld [smem:$0x3FFE];
	_ =	sdelay $0x1  }
0x8a: {  	s1 =	srdreg.scid  }
0x8b: {  	s0 =	sand.u32 $0x1, s1  }
0x8c: {  	s17 =	sshll.u32 s0, $0xA;
	s2 =	sadd.s32 s3, s2  }
0x8d: {  	s2 =	sadd.s32 s2, s17  }
0x8e: {  	[smem:$0x3FC6] =	sst s2  }
0x8f: {  	_ = 	snop  }
0x90: {  	s2 =	sld [smem:$0x3FD0];
	(tm) =	ssettm $0x1  }
0x91: {  	s18 =	sld [smem:$0x3FFB];
	_ =	sdelay $0x3  }
0x92: {  	_ =	strace s18  }
0x93: {  	s3 =	sld [smem:$0x3FFC];
	_ =	sdelay $0x3  }
0x94: {  	_ =	strace s3  }
0x95: {  	s3 =	sld [smem:$0x3FFD];
	_ =	sdelay $0x3  }
0x96: {  	_ =	strace s3  }
0x97: {  	_ =	strace $0x8FFFFFFF  }
0x98: {  	s19 =	sld [smem:$0x3FDB];
	_ =	sdelay $0x1  }
0x99: {  	s4 =	simm.s32 $_scs_section_size  }
0x9a: {  	s5 =	simm.s32 $_size__tile_overlayer_lowered;
	s6 =	simm.s32 $_tile_overlayer_lowered  }
0x9b: {  	s22 =	simm.s32 $0x1BFF;
	s21 =	sshll.u32 s6, $0x1;
	s3 =	sadd.s32 s4, s19  }
0x9c: {  	s7 =	simm.s32 $0x0;
	s20 =	sshll.u32 s5, $0x1;
	s5 =	sadd.s32 s21, s3  }
0x9d: {  	[timem:s7], [sflag:s22] =	dma.local [hbm:s5], s20  }
0x9e: {  	_ =	swait.ge [sflag:s22], s20  }
0x9f: {  	s4 =	ssub.s32 $0x0, s20;
	[sflag:s22] =	ssyncset.done $0x0  }
0xa0: {  	[sflag:s22] =	ssyncadd.s32 s4;
	_ =	sdelay $0x1  }
0xa1: {  	s23 =	simm.s32 $0x1B8B  }
0xa2: {  	_ =	swait.ge [sflag:s23], $0x1  }
0xa3: {  	[sflag:s23] =	ssyncset.done $0x0  }
0xa4: {  	s25 =	simm.s32 $0x1B8E;
	s24 =	sld [smem:$0x3FFE];
	[sflag:s23] =	ssyncadd.s32 $0xFFFFFFFF  }
0xa5: {  	s26 =	simm.s32 $execute0_lowered;
	[smem:$0x3FD2] =	sst s25  }
0xa6: {  	s5 =	sshll.u32 s26, $0x1;
	_ =	strace $0x80000049;
	[dreg:$0x1] =	wrdreg $0xFFFFFFFF  }
0xa7: {  	s28 =	simm.s32 $_size_execute0_lowered;
	s3 =	sadd.s32 s3, s5;
	[dreg:$0x0] =	wrdreg $0x0  }
0xa8: {  	s5 =	sshll.u32 s28, $0x1;
	[dreg:$0x2] =	wrdreg s3  }
0xa9: {  	[dreg:$0x3] =	wrdreg s5  }
0xaa: {  	[dreg:$0x4] =	wrdreg $0xC0  }
0xab: {  	_ =	task [dreg:s7], $0x5FFFF  }
0xac: {  	[dreg:$0x1] =	wrdreg $0xFFFFFFFF  }
0xad: {  	[dreg:$0x0] =	wrdreg $0x60  }
0xae: {  	[dreg:$0x2] =	wrdreg s24  }
0xaf: {  	[dreg:$0x3] =	wrdreg s2  }
0xb0: {  	[dreg:$0x4] =	wrdreg $0x9  }
0xb1: {  	_ =	task.clear_ibuf [dreg:s7], $0x5FFFF;
	_ =	strace $0x90000049  }
0xb2: {  	s29 =	simm.s32 $0x9;
	_ =	strace $0x8000004B  }
0xb3: {  	_ =	swait.ge [sflag:s29], $0x1  }
0xb4: {  	[sflag:s29] =	ssyncadd.s32 $0xFFFFFFFF  }
0xb5: {  	_ =	strace $0x9000004B  }
0xb6: {  	_ =	sfence  }
0xb7: {  	s30 =	sld [smem:$0x0];
	_ =	sdelay $0x2  }
0xb8: {  	s31 =	sshll.u32 s1, $0xD;
	s1 =	sshrl.u32 s1, $0x2  }
0xb9: {  	s3 =	sand.u32 $0x4000, s31;
	s1 =	sadd.s32 s1, s30  }
0xba: {  	s0 =	sor.u32 s3, s0;
	s1 =	sshll.u32 s1, $0x11  }
0xbb: {  	s0 =	sor.u32 s1, s0  }
0xbc: {  	s0 =	sadd.s32 $0x8F2B, s0  }
0xbd: {  	[sflag:s0] =	ssyncadd.remote.s32 $0x1  }
0xbe: {  	_ =	sfence.sel $0xFFFF  }
0xbf: {  	[dreg:$0x0] =	wrdreg $0xFFFFFFFF;
	(pc) =	sbr.abs _section_cstart, $3  }
0xc0: {  	[dreg:$0x1] =	wrdreg $0xFFFFFFFF  }
0xc1: {  	_ =	task.clear_ibuf [dreg:s7], $0x2FFFF;
	_ =	strace $0x9FFFFFFF  }
0xc2: {  	(tm) =	ssettm $0x7FFFFFFF  }
0xc3: {  	_ =	shalt  }
tec
execute0_lowered:
.L_overlay_start_1:
0x0: {  	(tag) =	ssettag $0x1  }
0x1: {  	s3 =	rddreg [dreg:$0x0]  }
0x2: {  	s1 =	rddreg [dreg:$0x1]  }
0x3: {  	s0 =	rddreg [dreg:$0x2];
	s2 =	simm.s32 $0x0;
	s4 =	srdreg.scid  }
0x4: {  	s9 =	simm.s32 $0x20000;
	s10 =	simm.s32 $0x5;
	s11 =	simm.s32 $0x80  }
0x5: {  	s12 =	simm.s32 $0x1C00;
	s13 =	simm.s32 $0x4;
	s14 =	simm.s32 $0x2  }
0x6: {  	s15 =	simm.s32 $0x7E00;
	s16 =	simm.s32 $0x3;
	s17 =	simm.s32 $0x3C00  }
0x7: {  	s18 =	simm.s32 $0x1;
	s19 =	simm.s32 $0x5C00;
	s20 =	simm.s32 $0x0  }
.Ltmp0:
0x8: {  	[smem:$0x7FF] =	sst s2;
	s6 =	sand.u32 $0x1, s4;
	(pc) =	sbr.rel .LBB2_1-.Ltmp0, $4  }
0x9: {  	v0 =	vlaneseq.u32;
	s4 =	sadd.s32 $0xF5EE00, s3;
	s5 =	sadd.s32 $0xF42E00, s3;
	s7 =	ssub.s32 $0x2, s6  }
0xa: {  	s3 =	stileid.u32;
	v0 =	vmul.u32 $0x88, v0;
	_ =	strace $0x8000004A;
	s8 =	sshrl.u32 s7, $0x1  }
0xb: {  	s31 =	sshll.u32 s3, $0x3;
	s6 =	sshll.u32 s6, $0x2;
	s7 =	ssub.s32 s7, s8  }
0xc: {  	s6 =	sor.u32 s6, s31;
	v1 =	vadd.s32 $0x880, v0;
	v2 =	vadd.s32 $0x1100, v0;
	v3 =	vadd.s32 $0x1980, v0;
	s8 =	simm.s32 $0x400;
	s7 =	smax.u32 s7, $0x1  }
.LBB2_18:
0xd: {  	s20 =	sadd.s32 $0x1, s20  }
0xe: {  	p0 =	sne.s32 s20, s7  }
.Ltmp1:
0xf: {  	_ = 	snop;
	(pc) =	sbr.rel @!p0 .LBB2_19-.Ltmp1, $1  }
0x10: {  	_ =	sdelay $0x3  }
.LBB2_1:
.Ltmp2:
0x11: {  	(pc) =	sbr.rel .LBB2_2-.Ltmp2, $2  }
0x12: {  	_ =	sdelay $0x2  }
0x13: {  	s21 =	simm.s32 $0x0  }
.LBB2_17:
0x14: {  	s21 =	sadd.s32 $0x1, s21  }
0x15: {  	_ =	swait.ge [sflag:s16], $0x2000;
	p0 =	sne.s32 s21, $0x4  }
.Ltmp3:
0x16: {  	[sflag:s16] =	ssyncset.done $0x0;
	(pc) =	sbr.rel @!p0 .LBB2_18-.Ltmp3, $4  }
0x17: {  	[sflag:s16] =	ssyncadd.s32 $0xFFFFE000  }
0x18: {  	_ =	swait.ge [sflag:s13], $0x2000  }
0x19: {  	[sflag:s13] =	ssyncset.done $0x0  }
0x1a: {  	[sflag:s13] =	ssyncadd.s32 $0xFFFFE000  }
.LBB2_2:
0x1b: {  	s23 =	sadd.s32 s6, s21  }
0x1c: {  	s22 =	sshll.u32 s23, $0x7  }
0x1d: {  	s24 =	simm.s32 $0x0;
	s22 =	sadd.s32 s5, s22  }
0x1e: {  	[tilespmem:s24], [sflag:$0x5] =	stream.strided.gather [hbm4b:s22+s8], $0x1C00, s9, s8, $0x38;
	[tilespmem:$0xA000] =	vst v63  }
0x1f: {  	_ =	swait.ge [sflag:s10], $0x1C00  }
0x20: {  	[sflag:s10] =	ssyncset.done $0x0  }
0x21: {  	s22 =	simm.s32 $0x0;
	[sflag:s10] =	ssyncadd.s32 $0xFFFFE400  }
0x22: {  	v6 =	vld [tilespmem:s22+$0x0]  }
0x23: {  	v8 =	vld [tilespmem:s22+$0x10]  }
0x24: {  	v7 =	vld [tilespmem:s22+$0x20]  }
0x25: {  	v5 =	vld [tilespmem:s22+$0x30]  }
0x26: {  	v4 =	vld [tilespmem:s22+$0x40]  }
0x27: {  	v9 =	vshll.u32 v6, $0x1;
	v6 =	vld [tilespmem:s22+$0x50]  }
0x28: {  	s24 =	simm.s32 $0x200;
	[tilespmem:s22+$0x0] =	vst v9;
	v9 =	vshll.u32 v8, $0x1;
	v8 =	vld [tilespmem:s22+$0x60]  }
.LBB2_3:
0x29: {  	s25 =	sshra.s32 s24, $0x2;
	p0 =	sne.s32 s24, $0x6200;
	[tilespmem:s22+$0x10] =	vst v9;
	v7 =	vshll.u32 v7, $0x1;
	v9 =	vld [tilespmem:s22+$0x70]  }
0x2a: {  	v10 =	vld [tilespmem:s25+$0x0];
	[tilespmem:s22+$0x20] =	vst v7;
	v5 =	vshll.u32 v5, $0x1  }
0x2b: {  	v11 =	vld [tilespmem:s25+$0x10];
	[tilespmem:s22+$0x30] =	vst v5;
	v4 =	vshll.u32 v4, $0x1  }
.Ltmp4:
0x2c: {  	v7 =	vld [tilespmem:s25+$0x20];
	[tilespmem:s22+$0x40] =	vst v4;
	v4 =	vshll.u32 v6, $0x1;
	(pc) =	sbr.rel @p0 .LBB2_3-.Ltmp4, $4  }
0x2d: {  	v5 =	vld [tilespmem:s25+$0x30];
	[tilespmem:s22+$0x50] =	vst v4;
	v6 =	vshll.u32 v8, $0x1  }
0x2e: {  	v4 =	vld [tilespmem:s25+$0x40];
	[tilespmem:s22+$0x60] =	vst v6;
	v8 =	vshll.u32 v9, $0x1  }
0x2f: {  	v9 =	vshll.u32 v10, $0x1;
	v6 =	vld [tilespmem:s25+$0x50];
	[tilespmem:s22+$0x70] =	vst v8;
	s22 =	smov.u32 s25  }
0x30: {  	s24 =	sadd.s32 $0x200, s24;
	[tilespmem:s22+$0x0] =	vst v9;
	v9 =	vshll.u32 v11, $0x1;
	v8 =	vld [tilespmem:s22+$0x60]  }
0x31: {  	[tilespmem:s22+$0x10] =	vst v9;
	v7 =	vshll.u32 v7, $0x1;
	v63 =	vld [tilespmem:s22+$0x70]  }
0x32: {  	[tilespmem:s22+$0x20] =	vst v7;
	v5 =	vshll.u32 v5, $0x1  }
0x33: {  	[tilespmem:s22+$0x30] =	vst v5;
	v4 =	vshll.u32 v4, $0x1  }
.Ltmp5:
0x34: {  	[tilespmem:s22+$0x40] =	vst v4;
	v4 =	vshll.u32 v6, $0x1;
	(pc) =	sbr.rel .LBB2_5-.Ltmp5, $4  }
0x35: {  	[tilespmem:s22+$0x50] =	vst v4;
	v4 =	vshll.u32 v8, $0x1  }
0x36: {  	[tilespmem:s22+$0x60] =	vst v4;
	v4 =	vshll.u32 v63, $0x1  }
0x37: {  	s23 =	sshll.u32 s23, $0xA;
	[tilespmem:s22+$0x70] =	vst v4;
	s22 =	simm.s32 $0x0  }
0x38: {  	[tilespmem:s12], [sflag:$0x1] =	stream.indirect.gather [hbm4b:s4+s11], $0x40, s22, s11, $0xb8;
	[tilespmem:$0xA000] =	vst v63  }
.LBB2_15:
0x39: {  	[hbm4b:s29+s2] =	stream.linear.scatter [tilespmem:s28], [sflag:$0x4], $0x80, $0x38;
	[tilespmem:$0xA000] =	vst v63  }
0x3a: {  	s26 =	sadd.s32 $0x7E00, s24  }
0x3b: {  	[hbm4b:s25+s2] =	stream.linear.scatter [tilespmem:s26], [sflag:$0x4], $0x80, $0x38;
	[tilespmem:$0xA000] =	vst v63  }
0x3c: {  	s30 =	sadd.s32 $0x7E88, s24;
	s31 =	sadd.s32 $0x10, s25  }
0x3d: {  	[hbm4b:s31+s2] =	stream.linear.scatter [tilespmem:s30], [sflag:$0x4], $0x80, $0x38;
	[tilespmem:$0xA000] =	vst v63  }
0x3e: {  	s29 =	sadd.s32 $0x7F10, s24;
	s30 =	sadd.s32 $0x20, s25  }
0x3f: {  	[hbm4b:s30+s2] =	stream.linear.scatter [tilespmem:s29], [sflag:$0x4], $0x80, $0x38;
	[tilespmem:$0xA000] =	vst v63  }
0x40: {  	s31 =	sadd.s32 $0x7F98, s24;
	s29 =	sadd.s32 $0x30, s25  }
0x41: {  	[hbm4b:s29+s2] =	stream.linear.scatter [tilespmem:s31], [sflag:$0x4], $0x80, $0x38;
	[tilespmem:$0xA000] =	vst v63  }
0x42: {  	s30 =	sadd.s32 $0x8020, s24;
	s31 =	sadd.s32 $0x40, s25  }
0x43: {  	[hbm4b:s31+s2] =	stream.linear.scatter [tilespmem:s30], [sflag:$0x4], $0x80, $0x38;
	[tilespmem:$0xA000] =	vst v63  }
0x44: {  	s29 =	sadd.s32 $0x80A8, s24;
	s30 =	sadd.s32 $0x50, s25  }
0x45: {  	[hbm4b:s30+s2] =	stream.linear.scatter [tilespmem:s29], [sflag:$0x4], $0x80, $0x38;
	[tilespmem:$0xA000] =	vst v63  }
0x46: {  	s31 =	sadd.s32 $0x8130, s24;
	s29 =	sadd.s32 $0x60, s25  }
0x47: {  	[hbm4b:s29+s2] =	stream.linear.scatter [tilespmem:s31], [sflag:$0x4], $0x80, $0x38;
	[tilespmem:$0xA000] =	vst v63  }
0x48: {  	s30 =	sadd.s32 $0x81B8, s24;
	s31 =	sadd.s32 $0x70, s25  }
0x49: {  	[hbm4b:s31+s2] =	stream.linear.scatter [tilespmem:s30], [sflag:$0x4], $0x80, $0x38;
	[tilespmem:$0xA000] =	vst v63  }
.LBB2_16:
0x4a: {  	s22 =	sadd.s32 $0x1, s22  }
0x4b: {  	p0 =	sne.s32 s22, $0x32  }
.Ltmp6:
0x4c: {  	_ = 	snop;
	(pc) =	sbr.rel @!p0 .LBB2_17-.Ltmp6, $1  }
0x4d: {  	_ =	sdelay $0x3  }
.LBB2_5:
0x4e: {  	s24 =	sand.u32 $0x1, s22  }
0x4f: {  	p0 =	seq.s32 s24, $0x1  }
.Ltmp7:
0x50: {  	_ = 	snop;
	(pc) =	sbr.rel @!p0 .LBB2_6-.Ltmp7, $1  }
0x51: {  	_ =	sdelay $0x3  }
0x52: {  	p0 =	seq.s32 s22, $0x31  }
0x53: {  	s24 =	sshll.u32 @!p0 s22, $0x9  }
0x54: {  	s24 =	sadd.s32 @!p0 $0x200, s24  }
0x55: {  	s25 =	simm.s32 @!p0 $0x80;
	s24 =	sand.u32 @!p0 $0xFC00, s24  }
0x56: {  	s26 =	simm.s32 @!p0 $0x1C00;
	p1 =	slt.u32 @!p0 s22, $0x2;
	s24 =	sshrl.u32 @!p0 s24, $0x2  }
0x57: {  	[tilespmem:s26], [sflag:$0x1] =	stream.indirect.gather @!p0 [hbm4b:s4+s25], $0x40, s24, s25, $0xb8;
	[tilespmem:$0xA000] =	vst v63  }
0x58: {  	p0 =	por p0, !p1  }
0x59: {  	_ =	swait.ge @p0 [sflag:s13], $0x2000  }
0x5a: {  	[sflag:s13] =	ssyncset.done @p0 $0x0  }
0x5b: {  	[sflag:s13] =	ssyncadd.s32 @p0 $0xFFFFE000  }
0x5c: {  	_ =	swait.ge [sflag:s14], $0x2000  }
0x5d: {  	[sflag:s14] =	ssyncset.done $0x0  }
0x5e: {  	s28 =	simm.s32 $0x3C40;
	s29 =	simm.s32 $0x1;
	[sflag:s14] =	ssyncadd.s32 $0xFFFFE000  }
0x5f: {  	v4 =	vmov s29;
	v5 =	vld [tilespmem:s28+$0x0]  }
0x60: {  	v4 =	vand.u32 $0x7F, v4;
	v6 =	vld [tilespmem:s28+$0x10]  }
0x61: {  	v9 =	vadd.s32 v0, v4;
	v8 =	vld [tilespmem:s28+$0x20]  }
0x62: {  	s30 =	simm.s32 $0x0;
	v11 =	vadd.s32 v1, v4;
	v10 =	vld [tilespmem:s28+$0x30]  }
0x63: {  	v7 =	vmov s30;
	v13 =	vadd.s32 v2, v4;
	v12 =	vld [tilespmem:s28+$0xFFFFFFC0]  }
0x64: {  	v18 =	vand.u32 $0x7E, v7;
	v17 =	vadd.s32 v3, v4;
	v16 =	vld [tilespmem:s28+$0xFFFFFFD0];
	v14 =	vmul.f32 $8.000000000e+00, v5  }
0x65: {  	v7 =	vadd.s32 v0, v18;
	v5 =	vld [tilespmem:s28+$0xFFFFFFE0];
	v6 =	vmul.f32 $8.000000000e+00, v6  }
0x66: {  	s31 =	simm.s32 $0x3;
	s24 =	simm.s32 $0x3CC0;
	v4 =	vld [tilespmem:s28+$0xFFFFFFF0];
	v19 =	vmul.f32 $8.000000000e+00, v8;
	v8 =	vadd.s32 v1, v18;
	[tilespmem:v9+s15+$0x0] =	vst.idx.msk $0xffff, v14  }
0x67: {  	v20 =	vmul.f32 $8.000000000e+00, v10;
	v10 =	vadd.s32 v2, v18;
	v14 =	vmov s31;
	v9 =	vld [tilespmem:s24+$0x0];
	[tilespmem:v11+s15+$0x0] =	vst.idx.msk $0xffff, v6  }
0x68: {  	v15 =	vmul.f32 $8.000000000e+00, v12;
	v6 =	vld [tilespmem:s24+$0x10];
	v14 =	vand.u32 $0x7F, v14;
	[tilespmem:v13+s15+$0x0] =	vst.idx.msk $0xffff, v19;
	v13 =	vadd.s32 v3, v18  }
0x69: {  	s25 =	simm.s32 $0x2;
	s26 =	simm.s32 $0x4;
	v16 =	vmul.f32 $8.000000000e+00, v16;
	v11 =	vld [tilespmem:s24+$0x20];
	v12 =	vadd.s32 v0, v14;
	[tilespmem:v17+s15+$0x0] =	vst.idx.msk $0xffff, v20  }
.LBB2_12:
0x6a: {  	p0 =	slt.u32 s26, $0x7E;
	v17 =	vld [tilespmem:s24+$0x30];
	v18 =	vadd.s32 v1, v14;
	v5 =	vmul.f32 $8.000000000e+00, v5;
	[tilespmem:v7+s15+$0x0] =	vst.idx.msk $0xffff, v15  }
0x6b: {  	v7 =	vmov s25;
	v19 =	vadd.s32 v2, v14;
	s25 =	smov.u32 s26;
	v15 =	vld [tilespmem:s24+$0xFFFFFFC0];
	v4 =	vmul.f32 $8.000000000e+00, v4;
	[tilespmem:v8+s15+$0x0] =	vst.idx.msk $0xffff, v16  }
0x6c: {  	v21 =	vadd.s32 v3, v14;
	v20 =	vand.u32 $0x7E, v7;
	v16 =	vld [tilespmem:s24+$0xFFFFFFD0];
	v9 =	vmul.f32 $8.000000000e+00, v9;
	[tilespmem:v10+s15+$0x0] =	vst.idx.msk $0xffff, v5  }
.Ltmp8:
0x6d: {  	v7 =	vadd.s32 v0, v20;
	v5 =	vld [tilespmem:s24+$0xFFFFFFE0];
	v6 =	vmul.f32 $8.000000000e+00, v6;
	[tilespmem:v13+s15+$0x0] =	vst.idx.msk $0xffff, v4;
	(pc) =	sbr.rel @p0 .LBB2_12-.Ltmp8, $4  }
0x6e: {  	s28 =	sadd.s32 $0x1, s26;
	v8 =	vadd.s32 v1, v20;
	v4 =	vld [tilespmem:s24+$0xFFFFFFF0];
	v11 =	vmul.f32 $8.000000000e+00, v11;
	[tilespmem:v12+s15+$0x0] =	vst.idx.msk $0xffff, v9;
	s24 =	sadd.s32 $0x80, s24  }
0x6f: {  	v10 =	vadd.s32 v2, v20;
	v12 =	vmov s28;
	v9 =	vld [tilespmem:s24+$0x0];
	v17 =	vmul.f32 $8.000000000e+00, v17;
	[tilespmem:v18+s15+$0x0] =	vst.idx.msk $0xffff, v6  }
0x70: {  	v13 =	vadd.s32 v3, v20;
	v14 =	vand.u32 $0x7F, v12;
	v6 =	vld [tilespmem:s24+$0x10];
	v15 =	vmul.f32 $8.000000000e+00, v15;
	[tilespmem:v19+s15+$0x0] =	vst.idx.msk $0xffff, v11  }
0x71: {  	s26 =	sadd.s32 $0x2, s26;
	v12 =	vadd.s32 v0, v14;
	v11 =	vld [tilespmem:s24+$0x20];
	v16 =	vmul.f32 $8.000000000e+00, v16;
	[tilespmem:v21+s15+$0x0] =	vst.idx.msk $0xffff, v17  }
0x72: {  	_ =	sdelay $0x3  }
0x73: {  	v17 =	vld [tilespmem:s24+$0x30];
	v18 =	vadd.s32 v1, v14;
	v5 =	vmul.f32 $8.000000000e+00, v5;
	[tilespmem:v7+s15+$0x0] =	vst.idx.msk $0xffff, v15  }
0x74: {  	v55 =	vmov s25;
	v56 =	vld [tilespmem:s24+$0xFFFFFFC0];
	v19 =	vadd.s32 v2, v14;
	v4 =	vmul.f32 $8.000000000e+00, v4;
	[tilespmem:v8+s15+$0x0] =	vst.idx.msk $0xffff, v16  }
0x75: {  	v57 =	vld [tilespmem:s24+$0xFFFFFFD0];
	v58 =	vadd.s32 v3, v14;
	v7 =	vand.u32 $0x7E, v55;
	v9 =	vmul.f32 $8.000000000e+00, v9;
	[tilespmem:v10+s15+$0x0] =	vst.idx.msk $0xffff, v5  }
0x76: {  	v5 =	vld [tilespmem:s24+$0xFFFFFFE0];
	v59 =	vadd.s32 v0, v7;
	v6 =	vmul.f32 $8.000000000e+00, v6;
	[tilespmem:v13+s15+$0x0] =	vst.idx.msk $0xffff, v4  }
0x77: {  	v60 =	vadd.s32 v1, v7;
	v4 =	vld [tilespmem:s24+$0xFFFFFFF0];
	v11 =	vmul.f32 $8.000000000e+00, v11;
	[tilespmem:v12+s15+$0x0] =	vst.idx.msk $0xffff, v9  }
0x78: {  	v61 =	vadd.s32 v2, v7;
	v62 =	vmul.f32 $8.000000000e+00, v17;
	[tilespmem:v18+s15+$0x0] =	vst.idx.msk $0xffff, v6  }
0x79: {  	v7 =	vadd.s32 v3, v7;
	v63 =	vmul.f32 $8.000000000e+00, v56;
	[tilespmem:v19+s15+$0x0] =	vst.idx.msk $0xffff, v11  }
0x7a: {  	v8 =	vmul.f32 $8.000000000e+00, v57;
	[tilespmem:v58+s15+$0x0] =	vst.idx.msk $0xffff, v62  }
0x7b: {  	s26 =	sshll.u32 s22, $0x14;
	v5 =	vmul.f32 $8.000000000e+00, v5;
	[tilespmem:v59+s15+$0x0] =	vst.idx.msk $0xffff, v63  }
0x7c: {  	s24 =	sadd.s32 s23, s26;
	v4 =	vmul.f32 $8.000000000e+00, v4;
	[tilespmem:v60+s15+$0x0] =	vst.idx.msk $0xffff, v8  }
0x7d: {  	s24 =	sshrl.u32 s24, $0x3;
	[tilespmem:v61+s15+$0x0] =	vst.idx.msk $0xffff, v5  }
0x7e: {  	s30 =	simm.s32 $0x7E00;
	s25 =	sadd.s32 s1, s24;
	[tilespmem:v7+s15+$0x0] =	vst.idx.msk $0xffff, v4  }
0x7f: {  	[hbm4b:s25+s2] =	stream.linear.scatter [tilespmem:s30], [sflag:$0x4], $0x80, $0x38;
	[tilespmem:$0xA000] =	vst v63  }
0x80: {  	s31 =	simm.s32 $0x7E88;
	s26 =	sadd.s32 $0x10, s25  }
0x81: {  	[hbm4b:s26+s2] =	stream.linear.scatter [tilespmem:s31], [sflag:$0x4], $0x80, $0x38;
	[tilespmem:$0xA000] =	vst v63  }
0x82: {  	s28 =	simm.s32 $0x81B8;
	s30 =	simm.s32 $0x7F10;
	s31 =	sadd.s32 $0x20, s25  }
0x83: {  	[hbm4b:s31+s2] =	stream.linear.scatter [tilespmem:s30], [sflag:$0x4], $0x80, $0x38;
	[tilespmem:$0xA000] =	vst v63  }
0x84: {  	s24 =	simm.s32 $0x440;
	s30 =	simm.s32 $0x7F98;
	s31 =	sadd.s32 $0x30, s25  }
0x85: {  	[hbm4b:s31+s2] =	stream.linear.scatter [tilespmem:s30], [sflag:$0x4], $0x80, $0x38;
	[tilespmem:$0xA000] =	vst v63  }
0x86: {  	s29 =	sadd.s32 $0x70, s25;
	s30 =	simm.s32 $0x8020;
	s31 =	sadd.s32 $0x40, s25  }
0x87: {  	[hbm4b:s31+s2] =	stream.linear.scatter [tilespmem:s30], [sflag:$0x4], $0x80, $0x38;
	[tilespmem:$0xA000] =	vst v63  }
0x88: {  	s26 =	simm.s32 $0x2200;
	s30 =	simm.s32 $0x80A8;
	s31 =	sadd.s32 $0x50, s25  }
0x89: {  	[hbm4b:s31+s2] =	stream.linear.scatter [tilespmem:s30], [sflag:$0x4], $0x80, $0x38;
	[tilespmem:$0xA000] =	vst v63  }
0x8a: {  	s30 =	simm.s32 $0x8130;
	s31 =	sadd.s32 $0x60, s25;
	s25 =	sadd.s32 $0x4000, s25  }
0x8b: {  	[hbm4b:s31+s2] =	stream.linear.scatter [tilespmem:s30], [sflag:$0x4], $0x80, $0x38;
	[tilespmem:$0xA000] =	vst v63  }
.LBB2_14:
0x8c: {  	[hbm4b:s29+s2] =	stream.linear.scatter [tilespmem:s28], [sflag:$0x4], $0x80, $0x38;
	[tilespmem:$0xA000] =	vst v63  }
0x8d: {  	s28 =	smov.u32 s24;
	s24 =	smov.u32 s26  }
0x8e: {  	s30 =	sadd.s32 $0x1100, s26;
	s24 =	sshra.s32 s24, $0x2;
	s29 =	sadd.s32 $0x7E00, s28  }
0x8f: {  	[hbm4b:s25+s2] =	stream.linear.scatter [tilespmem:s29], [sflag:$0x4], $0x80, $0x38;
	[tilespmem:$0xA000] =	vst v63  }
0x90: {  	p0 =	sne.s32 s26, $0x7700;
	s26 =	sadd.s32 $0x7E88, s28;
	s29 =	sadd.s32 $0x10, s25  }
0x91: {  	[hbm4b:s29+s2] =	stream.linear.scatter [tilespmem:s26], [sflag:$0x4], $0x80, $0x38;
	[tilespmem:$0xA000] =	vst v63  }
0x92: {  	s26 =	sadd.s32 $0x7F10, s28;
	s29 =	sadd.s32 $0x20, s25  }
0x93: {  	[hbm4b:s29+s2] =	stream.linear.scatter [tilespmem:s26], [sflag:$0x4], $0x80, $0x38;
	[tilespmem:$0xA000] =	vst v63  }
0x94: {  	s26 =	sadd.s32 $0x7F98, s28;
	s29 =	sadd.s32 $0x30, s25  }
0x95: {  	[hbm4b:s29+s2] =	stream.linear.scatter [tilespmem:s26], [sflag:$0x4], $0x80, $0x38;
	[tilespmem:$0xA000] =	vst v63  }
0x96: {  	s26 =	sadd.s32 $0x8020, s28;
	s29 =	sadd.s32 $0x40, s25  }
0x97: {  	[hbm4b:s29+s2] =	stream.linear.scatter [tilespmem:s26], [sflag:$0x4], $0x80, $0x38;
	[tilespmem:$0xA000] =	vst v63  }
.Ltmp9:
0x98: {  	s26 =	sadd.s32 $0x80A8, s28;
	s29 =	sadd.s32 $0x50, s25;
	(pc) =	sbr.rel @p0 .LBB2_14-.Ltmp9, $4  }
0x99: {  	[hbm4b:s29+s2] =	stream.linear.scatter [tilespmem:s26], [sflag:$0x4], $0x80, $0x38;
	[tilespmem:$0xA000] =	vst v63  }
0x9a: {  	s26 =	sadd.s32 $0x8130, s28;
	s29 =	sadd.s32 $0x60, s25;
	s28 =	sadd.s32 $0x81B8, s28  }
0x9b: {  	[hbm4b:s29+s2] =	stream.linear.scatter [tilespmem:s26], [sflag:$0x4], $0x80, $0x38;
	[tilespmem:$0xA000] =	vst v63  }
0x9c: {  	s29 =	sadd.s32 $0x70, s25;
	s25 =	sadd.s32 $0x4000, s25;
	s26 =	smov.u32 s30  }
.Ltmp10:
0x9d: {  	_ = 	snop;
	(pc) =	sbr.rel .LBB2_15-.Ltmp10, $1  }
0x9e: {  	_ =	sdelay $0x3  }
.LBB2_6:
0x9f: {  	s24 =	sshll.u32 s22, $0x7  }
0xa0: {  	s24 =	sand.u32 $0x1F00, s24  }
0xa1: {  	p0 =	slt.u32 s22, $0x2;
	s24 =	sor.u32 $0x80, s24  }
0xa2: {  	[tilespmem:s17], [sflag:$0x2] =	stream.indirect.gather [hbm4b:s4+s11], $0x40, s24, s11, $0xb8;
	[tilespmem:$0xA000] =	vst v63  }
0xa3: {  	s24 =	simm.s32 @!p0 $0x3  }
0xa4: {  	_ =	swait.ge @!p0 [sflag:s24], $0x2000  }
0xa5: {  	[sflag:s24] =	ssyncset.done @!p0 $0x0  }
0xa6: {  	[sflag:s24] =	ssyncadd.s32 @!p0 $0xFFFFE000  }
0xa7: {  	_ =	swait.ge [sflag:s18], $0x2000  }
0xa8: {  	[sflag:s18] =	ssyncset.done $0x0  }
0xa9: {  	s29 =	simm.s32 $0x1C40;
	s25 =	simm.s32 $0x1;
	[sflag:s18] =	ssyncadd.s32 $0xFFFFE000  }
0xaa: {  	v4 =	vmov s25;
	v5 =	vld [tilespmem:s29+$0x0]  }
0xab: {  	v4 =	vand.u32 $0x7F, v4;
	v6 =	vld [tilespmem:s29+$0x10]  }
0xac: {  	v9 =	vadd.s32 v0, v4;
	v8 =	vld [tilespmem:s29+$0x20]  }
0xad: {  	s30 =	simm.s32 $0x0;
	v11 =	vadd.s32 v1, v4;
	v10 =	vld [tilespmem:s29+$0x30]  }
0xae: {  	v7 =	vmov s30;
	v13 =	vadd.s32 v2, v4;
	v12 =	vld [tilespmem:s29+$0xFFFFFFC0]  }
0xaf: {  	v18 =	vand.u32 $0x7E, v7;
	v17 =	vadd.s32 v3, v4;
	v16 =	vld [tilespmem:s29+$0xFFFFFFD0];
	v14 =	vmul.f32 $8.000000000e+00, v5  }
0xb0: {  	v7 =	vadd.s32 v0, v18;
	v5 =	vld [tilespmem:s29+$0xFFFFFFE0];
	v6 =	vmul.f32 $8.000000000e+00, v6  }
0xb1: {  	s31 =	simm.s32 $0x3;
	s24 =	simm.s32 $0x1CC0;
	v4 =	vld [tilespmem:s29+$0xFFFFFFF0];
	v19 =	vmul.f32 $8.000000000e+00, v8;
	v8 =	vadd.s32 v1, v18;
	[tilespmem:v9+s19+$0x0] =	vst.idx.msk $0xffff, v14  }
0xb2: {  	v20 =	vmul.f32 $8.000000000e+00, v10;
	v10 =	vadd.s32 v2, v18;
	v14 =	vmov s31;
	v9 =	vld [tilespmem:s24+$0x0];
	[tilespmem:v11+s19+$0x0] =	vst.idx.msk $0xffff, v6  }
0xb3: {  	v15 =	vmul.f32 $8.000000000e+00, v12;
	v6 =	vld [tilespmem:s24+$0x10];
	v14 =	vand.u32 $0x7F, v14;
	[tilespmem:v13+s19+$0x0] =	vst.idx.msk $0xffff, v19;
	v13 =	vadd.s32 v3, v18  }
0xb4: {  	s26 =	simm.s32 $0x4;
	s25 =	simm.s32 $0x2;
	v16 =	vmul.f32 $8.000000000e+00, v16;
	v11 =	vld [tilespmem:s24+$0x20];
	v12 =	vadd.s32 v0, v14;
	[tilespmem:v17+s19+$0x0] =	vst.idx.msk $0xffff, v20  }
.LBB2_7:
0xb5: {  	p0 =	slt.u32 s26, $0x7E;
	v17 =	vld [tilespmem:s24+$0x30];
	v18 =	vadd.s32 v1, v14;
	v5 =	vmul.f32 $8.000000000e+00, v5;
	[tilespmem:v7+s19+$0x0] =	vst.idx.msk $0xffff, v15  }
0xb6: {  	v7 =	vmov s25;
	v19 =	vadd.s32 v2, v14;
	s25 =	smov.u32 s26;
	v15 =	vld [tilespmem:s24+$0xFFFFFFC0];
	v4 =	vmul.f32 $8.000000000e+00, v4;
	[tilespmem:v8+s19+$0x0] =	vst.idx.msk $0xffff, v16  }
0xb7: {  	v21 =	vadd.s32 v3, v14;
	v20 =	vand.u32 $0x7E, v7;
	v16 =	vld [tilespmem:s24+$0xFFFFFFD0];
	v9 =	vmul.f32 $8.000000000e+00, v9;
	[tilespmem:v10+s19+$0x0] =	vst.idx.msk $0xffff, v5  }
.Ltmp11:
0xb8: {  	v7 =	vadd.s32 v0, v20;
	v5 =	vld [tilespmem:s24+$0xFFFFFFE0];
	v6 =	vmul.f32 $8.000000000e+00, v6;
	[tilespmem:v13+s19+$0x0] =	vst.idx.msk $0xffff, v4;
	(pc) =	sbr.rel @p0 .LBB2_7-.Ltmp11, $4  }
0xb9: {  	s28 =	sadd.s32 $0x1, s26;
	v8 =	vadd.s32 v1, v20;
	v4 =	vld [tilespmem:s24+$0xFFFFFFF0];
	v11 =	vmul.f32 $8.000000000e+00, v11;
	[tilespmem:v12+s19+$0x0] =	vst.idx.msk $0xffff, v9;
	s24 =	sadd.s32 $0x80, s24  }
0xba: {  	v10 =	vadd.s32 v2, v20;
	v12 =	vmov s28;
	v9 =	vld [tilespmem:s24+$0x0];
	v17 =	vmul.f32 $8.000000000e+00, v17;
	[tilespmem:v18+s19+$0x0] =	vst.idx.msk $0xffff, v6  }
0xbb: {  	v13 =	vadd.s32 v3, v20;
	v14 =	vand.u32 $0x7F, v12;
	v6 =	vld [tilespmem:s24+$0x10];
	v15 =	vmul.f32 $8.000000000e+00, v15;
	[tilespmem:v19+s19+$0x0] =	vst.idx.msk $0xffff, v11  }
0xbc: {  	s26 =	sadd.s32 $0x2, s26;
	v12 =	vadd.s32 v0, v14;
	v11 =	vld [tilespmem:s24+$0x20];
	v16 =	vmul.f32 $8.000000000e+00, v16;
	[tilespmem:v21+s19+$0x0] =	vst.idx.msk $0xffff, v17  }
0xbd: {  	_ =	sdelay $0x3  }
0xbe: {  	v17 =	vld [tilespmem:s24+$0x30];
	v18 =	vadd.s32 v1, v14;
	v5 =	vmul.f32 $8.000000000e+00, v5;
	[tilespmem:v7+s19+$0x0] =	vst.idx.msk $0xffff, v15  }
0xbf: {  	v55 =	vmov s25;
	v56 =	vld [tilespmem:s24+$0xFFFFFFC0];
	v19 =	vadd.s32 v2, v14;
	v4 =	vmul.f32 $8.000000000e+00, v4;
	[tilespmem:v8+s19+$0x0] =	vst.idx.msk $0xffff, v16  }
0xc0: {  	v57 =	vld [tilespmem:s24+$0xFFFFFFD0];
	v58 =	vadd.s32 v3, v14;
	v7 =	vand.u32 $0x7E, v55;
	v9 =	vmul.f32 $8.000000000e+00, v9;
	[tilespmem:v10+s19+$0x0] =	vst.idx.msk $0xffff, v5  }
0xc1: {  	v5 =	vld [tilespmem:s24+$0xFFFFFFE0];
	v59 =	vadd.s32 v0, v7;
	v6 =	vmul.f32 $8.000000000e+00, v6;
	[tilespmem:v13+s19+$0x0] =	vst.idx.msk $0xffff, v4  }
0xc2: {  	v60 =	vadd.s32 v1, v7;
	v4 =	vld [tilespmem:s24+$0xFFFFFFF0];
	v11 =	vmul.f32 $8.000000000e+00, v11;
	[tilespmem:v12+s19+$0x0] =	vst.idx.msk $0xffff, v9  }
0xc3: {  	v61 =	vadd.s32 v2, v7;
	v62 =	vmul.f32 $8.000000000e+00, v17;
	[tilespmem:v18+s19+$0x0] =	vst.idx.msk $0xffff, v6  }
0xc4: {  	v7 =	vadd.s32 v3, v7;
	v63 =	vmul.f32 $8.000000000e+00, v56;
	[tilespmem:v19+s19+$0x0] =	vst.idx.msk $0xffff, v11  }
0xc5: {  	v8 =	vmul.f32 $8.000000000e+00, v57;
	[tilespmem:v58+s19+$0x0] =	vst.idx.msk $0xffff, v62  }
0xc6: {  	s26 =	sshll.u32 s22, $0x14;
	v5 =	vmul.f32 $8.000000000e+00, v5;
	[tilespmem:v59+s19+$0x0] =	vst.idx.msk $0xffff, v63  }
0xc7: {  	s24 =	sadd.s32 s23, s26;
	v4 =	vmul.f32 $8.000000000e+00, v4;
	[tilespmem:v60+s19+$0x0] =	vst.idx.msk $0xffff, v8  }
0xc8: {  	s24 =	sshrl.u32 s24, $0x3;
	[tilespmem:v61+s19+$0x0] =	vst.idx.msk $0xffff, v5  }
0xc9: {  	s30 =	simm.s32 $0x5C00;
	s25 =	sadd.s32 s1, s24;
	[tilespmem:v7+s19+$0x0] =	vst.idx.msk $0xffff, v4  }
0xca: {  	[hbm4b:s25+s2] =	stream.linear.scatter [tilespmem:s30], [sflag:$0x3], $0x80, $0x38;
	[tilespmem:$0xA000] =	vst v63  }
0xcb: {  	s31 =	simm.s32 $0x5C88;
	s26 =	sadd.s32 $0x10, s25  }
0xcc: {  	[hbm4b:s26+s2] =	stream.linear.scatter [tilespmem:s31], [sflag:$0x3], $0x80, $0x38;
	[tilespmem:$0xA000] =	vst v63  }
0xcd: {  	s28 =	simm.s32 $0x5FB8;
	s30 =	simm.s32 $0x5D10;
	s31 =	sadd.s32 $0x20, s25  }
0xce: {  	[hbm4b:s31+s2] =	stream.linear.scatter [tilespmem:s30], [sflag:$0x3], $0x80, $0x38;
	[tilespmem:$0xA000] =	vst v63  }
0xcf: {  	s24 =	simm.s32 $0x440;
	s30 =	simm.s32 $0x5D98;
	s31 =	sadd.s32 $0x30, s25  }
0xd0: {  	[hbm4b:s31+s2] =	stream.linear.scatter [tilespmem:s30], [sflag:$0x3], $0x80, $0x38;
	[tilespmem:$0xA000] =	vst v63  }
0xd1: {  	s29 =	sadd.s32 $0x70, s25;
	s30 =	simm.s32 $0x5E20;
	s31 =	sadd.s32 $0x40, s25  }
0xd2: {  	[hbm4b:s31+s2] =	stream.linear.scatter [tilespmem:s30], [sflag:$0x3], $0x80, $0x38;
	[tilespmem:$0xA000] =	vst v63  }
0xd3: {  	s26 =	simm.s32 $0x2200;
	s30 =	simm.s32 $0x5EA8;
	s31 =	sadd.s32 $0x50, s25  }
0xd4: {  	[hbm4b:s31+s2] =	stream.linear.scatter [tilespmem:s30], [sflag:$0x3], $0x80, $0x38;
	[tilespmem:$0xA000] =	vst v63  }
0xd5: {  	s30 =	simm.s32 $0x5F30;
	s31 =	sadd.s32 $0x60, s25;
	s25 =	sadd.s32 $0x4000, s25  }
0xd6: {  	[hbm4b:s31+s2] =	stream.linear.scatter [tilespmem:s30], [sflag:$0x3], $0x80, $0x38;
	[tilespmem:$0xA000] =	vst v63  }
.LBB2_9:
0xd7: {  	[hbm4b:s29+s2] =	stream.linear.scatter [tilespmem:s28], [sflag:$0x3], $0x80, $0x38;
	[tilespmem:$0xA000] =	vst v63  }
0xd8: {  	s28 =	smov.u32 s24;
	s24 =	smov.u32 s26  }
0xd9: {  	s30 =	sadd.s32 $0x1100, s26;
	s24 =	sshra.s32 s24, $0x2;
	s29 =	sadd.s32 $0x5C00, s28  }
0xda: {  	[hbm4b:s25+s2] =	stream.linear.scatter [tilespmem:s29], [sflag:$0x3], $0x80, $0x38;
	[tilespmem:$0xA000] =	vst v63  }
0xdb: {  	p0 =	seq.s32 s26, $0x7700;
	s26 =	sadd.s32 $0x5C88, s28;
	s29 =	sadd.s32 $0x10, s25  }
0xdc: {  	[hbm4b:s29+s2] =	stream.linear.scatter [tilespmem:s26], [sflag:$0x3], $0x80, $0x38;
	[tilespmem:$0xA000] =	vst v63  }
0xdd: {  	s26 =	sadd.s32 $0x5D10, s28;
	s29 =	sadd.s32 $0x20, s25  }
0xde: {  	[hbm4b:s29+s2] =	stream.linear.scatter [tilespmem:s26], [sflag:$0x3], $0x80, $0x38;
	[tilespmem:$0xA000] =	vst v63  }
0xdf: {  	s26 =	sadd.s32 $0x5D98, s28;
	s29 =	sadd.s32 $0x30, s25  }
0xe0: {  	[hbm4b:s29+s2] =	stream.linear.scatter [tilespmem:s26], [sflag:$0x3], $0x80, $0x38;
	[tilespmem:$0xA000] =	vst v63  }
0xe1: {  	s26 =	sadd.s32 $0x5E20, s28;
	s29 =	sadd.s32 $0x40, s25  }
0xe2: {  	[hbm4b:s29+s2] =	stream.linear.scatter [tilespmem:s26], [sflag:$0x3], $0x80, $0x38;
	[tilespmem:$0xA000] =	vst v63  }
.Ltmp12:
0xe3: {  	s26 =	sadd.s32 $0x5EA8, s28;
	s29 =	sadd.s32 $0x50, s25;
	(pc) =	sbr.rel @!p0 .LBB2_9-.Ltmp12, $4  }
0xe4: {  	[hbm4b:s29+s2] =	stream.linear.scatter [tilespmem:s26], [sflag:$0x3], $0x80, $0x38;
	[tilespmem:$0xA000] =	vst v63  }
0xe5: {  	s26 =	sadd.s32 $0x5F30, s28;
	s29 =	sadd.s32 $0x60, s25;
	s28 =	sadd.s32 $0x5FB8, s28  }
0xe6: {  	[hbm4b:s29+s2] =	stream.linear.scatter [tilespmem:s26], [sflag:$0x3], $0x80, $0x38;
	[tilespmem:$0xA000] =	vst v63  }
0xe7: {  	s29 =	sadd.s32 $0x70, s25;
	s25 =	sadd.s32 $0x4000, s25;
	s26 =	smov.u32 s30  }
0xe8: {  	[hbm4b:s29+s2] =	stream.linear.scatter [tilespmem:s28], [sflag:$0x3], $0x80, $0x38;
	[tilespmem:$0xA000] =	vst v63  }
0xe9: {  	s26 =	sadd.s32 $0x5C00, s24  }
0xea: {  	[hbm4b:s25+s2] =	stream.linear.scatter [tilespmem:s26], [sflag:$0x3], $0x80, $0x38;
	[tilespmem:$0xA000] =	vst v63  }
0xeb: {  	s30 =	sadd.s32 $0x5C88, s24;
	s31 =	sadd.s32 $0x10, s25  }
0xec: {  	[hbm4b:s31+s2] =	stream.linear.scatter [tilespmem:s30], [sflag:$0x3], $0x80, $0x38;
	[tilespmem:$0xA000] =	vst v63  }
0xed: {  	s29 =	sadd.s32 $0x5D10, s24;
	s30 =	sadd.s32 $0x20, s25  }
0xee: {  	[hbm4b:s30+s2] =	stream.linear.scatter [tilespmem:s29], [sflag:$0x3], $0x80, $0x38;
	[tilespmem:$0xA000] =	vst v63  }
0xef: {  	s31 =	sadd.s32 $0x5D98, s24;
	s29 =	sadd.s32 $0x30, s25  }
0xf0: {  	[hbm4b:s29+s2] =	stream.linear.scatter [tilespmem:s31], [sflag:$0x3], $0x80, $0x38;
	[tilespmem:$0xA000] =	vst v63  }
0xf1: {  	s30 =	sadd.s32 $0x5E20, s24;
	s31 =	sadd.s32 $0x40, s25  }
0xf2: {  	[hbm4b:s31+s2] =	stream.linear.scatter [tilespmem:s30], [sflag:$0x3], $0x80, $0x38;
	[tilespmem:$0xA000] =	vst v63  }
0xf3: {  	s29 =	sadd.s32 $0x5EA8, s24;
	s30 =	sadd.s32 $0x50, s25  }
0xf4: {  	[hbm4b:s30+s2] =	stream.linear.scatter [tilespmem:s29], [sflag:$0x3], $0x80, $0x38;
	[tilespmem:$0xA000] =	vst v63  }
.Ltmp13:
0xf5: {  	_ = 	snop;
	(pc) =	sbr.rel .LBB2_16-.Ltmp13, $4  }
0xf6: {  	s31 =	sadd.s32 $0x5F30, s24;
	s29 =	sadd.s32 $0x60, s25  }
0xf7: {  	[hbm4b:s29+s2] =	stream.linear.scatter [tilespmem:s31], [sflag:$0x3], $0x80, $0x38;
	[tilespmem:$0xA000] =	vst v63  }
0xf8: {  	s30 =	sadd.s32 $0x5FB8, s24;
	s31 =	sadd.s32 $0x70, s25  }
0xf9: {  	[hbm4b:s31+s2] =	stream.linear.scatter [tilespmem:s30], [sflag:$0x3], $0x80, $0x38;
	[tilespmem:$0xA000] =	vst v63  }
.LBB2_19:
0xfa: {  	_ =	sfence.sel $0x180000  }
0xfb: {  	[bflag:$0x0] =	sbarrier.arrive $0xFFFF  }
0xfc: {  	p0 =	sne.s32 s3, $0x0;
	_ =	strace $0x9000004A  }
0xfd: {  	s0 =	sadd.s32 @!p0 $0x100000, s0;
	[bflag:$0x2] =	sbarrier.arrive $0xFFFF  }
0xfe: {  	[sflag:s0] =	ssyncadd.tile.s32 @!p0 $0x1;
	_ =	shalt  }
.Lfunc_end2:
_tile_overlayer_lowered:
.L_overlay_start_2:
0xff: {  	(tag) =	ssettag $0x2  }
0x100: {  	s0 =	rddreg [dreg:$0x0];
	s2 =	stileid.u32  }
0x101: {  	s1 =	rddreg [dreg:$0x1];
	p0 =	sne.s32 s2, $0x0  }
0x102: {  	s3 =	rddreg [dreg:$0x2];
	[bflag:$0x3] =	sbarrier.arrive $0xFFFF;
	s2 =	simm.s32 @!p0 $0x1C05  }
0x103: {  	[timem:s3], [sflag:s2] =	dma.local @!p0 [hbm:s0], s1  }
0x104: {  	s0 =	simm.s32 @!p0 $0x5  }
0x105: {  	_ =	swait.ge @!p0 [sflag:s0], s1  }
0x106: {  	s1 =	ssub.s32 @!p0 $0x0, s1;
	[sflag:s0] =	ssyncset.done @!p0 $0x0  }
0x107: {  	[sflag:s0] =	ssyncadd.s32 @!p0 s1  }
0x108: {  	[bflag:$0x3] =	sbarrier.arrive $0xFFFF  }
0x109: {  	_ =	shalt  }

// kernel: sparse-core-data-format-call.cloned.1.call-start
scs
called_computation_lowered:
.L_overlay_start_0:
0x0: {  	s2 =	sld [smem:$0x3FD9]  }
0x1: {  	s3 =	sld [smem:$0x3FFE];
	_ =	sdelay $0x1  }
0x2: {  	s1 =	srdreg.scid  }
0x3: {  	s0 =	sand.u32 $0x1, s1  }
0x4: {  	s18 =	sshll.u32 s0, $0xA;
	s2 =	sadd.s32 s3, s2  }
0x5: {  	s2 =	sadd.s32 s2, s18  }
0x6: {  	[smem:$0x3FC6] =	sst s2  }
0x7: {  	_ = 	snop  }
0x8: {  	s2 =	sld [smem:$0x3FC8];
	(tm) =	ssettm $0x1  }
0x9: {  	s19 =	sld [smem:$0x3FFB];
	_ =	sdelay $0x3  }
0xa: {  	_ =	strace s19  }
0xb: {  	s3 =	sld [smem:$0x3FFC];
	_ =	sdelay $0x3  }
0xc: {  	_ =	strace s3  }
0xd: {  	s3 =	sld [smem:$0x3FFD];
	_ =	sdelay $0x3  }
0xe: {  	_ =	strace s3  }
0xf: {  	_ =	strace $0x8FFFFFFF  }
0x10: {  	s20 =	sld [smem:$0x3FDB];
	_ =	sdelay $0x1  }
0x11: {  	s4 =	simm.s32 $_scs_section_size  }
0x12: {  	s5 =	simm.s32 $_size__tile_overlayer_lowered;
	s6 =	simm.s32 $_tile_overlayer_lowered  }
0x13: {  	s23 =	simm.s32 $0x1BFF;
	s22 =	sshll.u32 s6, $0x1;
	s3 =	sadd.s32 s4, s20  }
0x14: {  	s7 =	simm.s32 $0x0;
	s21 =	sshll.u32 s5, $0x1;
	s5 =	sadd.s32 s22, s3  }
0x15: {  	[timem:s7], [sflag:s23] =	dma.local [hbm:s5], s21  }
0x16: {  	_ =	swait.ge [sflag:s23], s21  }
0x17: {  	s4 =	ssub.s32 $0x0, s21;
	[sflag:s23] =	ssyncset.done $0x0  }
0x18: {  	[sflag:s23] =	ssyncadd.s32 s4;
	_ =	sdelay $0x1  }
0x19: {  	s24 =	simm.s32 $0x1B8B  }
0x1a: {  	_ =	swait.ge [sflag:s24], $0x1  }
0x1b: {  	[sflag:s24] =	ssyncset.done $0x0  }
0x1c: {  	s26 =	simm.s32 $0x1B8E;
	s25 =	sld [smem:$0x3FFE];
	[sflag:s24] =	ssyncadd.s32 $0xFFFFFFFF  }
0x1d: {  	s27 =	simm.s32 $execute0_lowered;
	[smem:$0x3FD2] =	sst s26  }
0x1e: {  	s5 =	sshll.u32 s27, $0x1;
	_ =	strace $0x80000046;
	[dreg:$0x1] =	wrdreg $0xFFFFFFFF  }
0x1f: {  	s28 =	simm.s32 $_size_execute0_lowered;
	s3 =	sadd.s32 s3, s5;
	[dreg:$0x0] =	wrdreg $0x0  }
0x20: {  	s5 =	sshll.u32 s28, $0x1;
	[dreg:$0x2] =	wrdreg s3  }
0x21: {  	[dreg:$0x3] =	wrdreg s5  }
0x22: {  	[dreg:$0x4] =	wrdreg $0xC0  }
0x23: {  	_ =	task [dreg:s7], $0x5FFFF  }
0x24: {  	[dreg:$0x1] =	wrdreg $0xFFFFFFFF  }
0x25: {  	[dreg:$0x0] =	wrdreg $0x60  }
0x26: {  	[dreg:$0x2] =	wrdreg s2  }
0x27: {  	[dreg:$0x3] =	wrdreg s25  }
0x28: {  	[dreg:$0x4] =	wrdreg $0x9  }
0x29: {  	_ =	task.clear_ibuf [dreg:s7], $0x5FFFF;
	_ =	strace $0x90000046  }
0x2a: {  	s29 =	simm.s32 $0x9;
	_ =	strace $0x80000048  }
0x2b: {  	_ =	swait.ge [sflag:s29], $0x1  }
0x2c: {  	[sflag:s29] =	ssyncadd.s32 $0xFFFFFFFF  }
0x2d: {  	_ =	strace $0x90000048  }
0x2e: {  	_ =	sfence  }
0x2f: {  	s30 =	sld [smem:$0x0];
	_ =	sdelay $0x2  }
0x30: {  	s31 =	sshll.u32 s1, $0xD;
	s1 =	sshrl.u32 s1, $0x2  }
0x31: {  	s3 =	sand.u32 $0x4000, s31;
	s1 =	sadd.s32 s1, s30  }
0x32: {  	s0 =	sor.u32 s3, s0;
	s1 =	sshll.u32 s1, $0x11  }
0x33: {  	s0 =	sor.u32 s1, s0  }
0x34: {  	s0 =	sadd.s32 $0x8F2B, s0  }
0x35: {  	[sflag:s0] =	ssyncadd.remote.s32 $0x1  }
0x36: {  	_ =	sfence.sel $0xFFFF  }
0x37: {  	[dreg:$0x0] =	wrdreg $0xFFFFFFFF;
	(pc) =	sbr.abs _section_cstart, $3  }
0x38: {  	[dreg:$0x1] =	wrdreg $0xFFFFFFFF  }
0x39: {  	_ =	task.clear_ibuf [dreg:s7], $0x2FFFF;
	_ =	strace $0x9FFFFFFF  }
0x3a: {  	(tm) =	ssettm $0x7FFFFFFF  }
0x3b: {  	_ =	shalt  }
tec
execute0_lowered:
.L_overlay_start_1:
0x0: {  	(tag) =	ssettag $0x1  }
0x1: {  	s0 =	srdreg.scid;
	s2 =	rddreg [dreg:$0x0]  }
0x2: {  	s5 =	rddreg [dreg:$0x1];
	s1 =	stileid.u32  }
0x3: {  	s4 =	simm.s32 $0x1;
	s6 =	simm.s32 $0x2;
	s15 =	simm.s32 $0x0  }
0x4: {  	p0 =	por $0x0, $0x0;
	s8 =	simm.s32 $0x80;
	s0 =	sshll.u32 s0, $0x4  }
0x5: {  	s14 =	simm.s32 $0x0;
	s9 =	simm.s32 $0x0;
	s3 =	sand.u32 $0x10, s0  }
.Ltmp0:
0x6: {  	s10 =	simm.s32 $0x0;
	s3 =	sor.u32 s1, s3;
	(pc) =	sbr.rel .LBB1_1-.Ltmp0, $4  }
0x7: {  	s0 =	rddreg [dreg:$0x2];
	_ =	strace $0x80000047;
	s3 =	sshll.u32 s3, $0x7  }
0x8: {  	s12 =	simm.s32 $0x0;
	[sflag:s4] =	ssyncpa.u1 $0x0;
	s7 =	ssub.s32 $0xF4200, s3  }
0x9: {  	s13 =	simm.s32 $0x0;
	[sflag:s6] =	ssyncpa.u1 $0x0;
	s6 =	sshrl.u32 s7, $0xC  }
0xa: {  	s5 =	sadd.s32 $0xA00, s5;
	s11 =	smov.u32 s3;
	s7 =	sadd.s32 $0x2, s6  }
.LBB1_5:
0xb: {  	p1 =	slt.u32 s13, $0x2  }
0xc: {  	s17 =	smov.u32 s15;
	p2 =	sgt.s32 @!p1 s15, $0xF41C0;
	s16 =	sshra.s32 @!p1 s15, $0x1F  }
0xd: {  	p3 =	sgt.s32 @!p1 s14, $0x40;
	s18 =	sshra.s32 @!p1 s14, $0x1F;
	p2 =	por !p2, p1  }
0xe: {  	s15 =	sand.u32 @!p1 s16, s15;
	p3 =	por !p3, p1;
	s16 =	smov.u32 s14  }
0xf: {  	s14 =	sand.u32 @!p1 s18, s14;
	s17 =	simm.s32 @p2 $0xF41C0;
	s16 =	simm.s32 @p3 $0x40  }
0x10: {  	s15 =	ssub.s32 @!p1 s17, s15;
	s14 =	ssub.s32 @!p1 s16, s14  }
0x11: {  	s18 =	smov.u32 s12;
	s16 =	sadd.s32 @!p1 $0xFFF0BE40, s15;
	s17 =	sadd.s32 @!p1 $0xFFFFFFC0, s14  }
0x12: {  	s15 =	ssub.s32 @!p1 $0xF4240, s15;
	p2 =	sgt.s32 @!p1 s16, $0x7F;
	p3 =	sgt.s32 @!p1 s17, $0x3F  }
0x13: {  	s14 =	ssub.s32 @!p1 $0x80, s14;
	p2 =	por !p2, p1;
	p3 =	por !p3, p1  }
0x14: {  	s16 =	sadd.s32 $0x1000, s11;
	s15 =	simm.s32 @!p2 $0x0;
	s14 =	simm.s32 @!p3 $0x0  }
0x15: {  	p2 =	sgt.s32 s16, $0xF423F;
	s14 =	smul.u32 @!p1 s14, s15;
	s15 =	sadd.s32 $0x40, s12  }
0x16: {  	s18 =	smov.u32 @p2 s15  }
0x17: {  	s16 =	smov.u32 @p2 s3;
	p2 =	sgt.s32 s18, $0x3F  }
0x18: {  	s18 =	simm.s32 @p2 $0x0;
	p2 =	sne.s32 s13, s7  }
.Ltmp1:
0x19: {  	p0 =	por !p0, !p0;
	s17 =	simm.s32 @!p1 $0x2;
	(pc) =	sbr.rel @!p2 .LBB1_6-.Ltmp1, $4  }
0x1a: {  	s15 =	smov.u32 s9;
	s9 =	smov.u32 s11;
	s14 =	sand.u32 @!p1 $0x3FFFFFFF, s14  }
0x1b: {  	s11 =	smov.u32 s16;
	_ =	swait.ge @!p1 [sflag:s17], s14;
	s19 =	ssub.s32 @!p1 $0x0, s14  }
0x1c: {  	s14 =	smov.u32 s10;
	s13 =	sadd.s32 $0x1, s13;
	[sflag:s17] =	ssyncset.done @!p1 $0x0  }
0x1d: {  	s10 =	smov.u32 s12;
	s12 =	smov.u32 s18;
	[sflag:s17] =	ssyncadd.s32 @!p1 s19  }
.LBB1_1:
0x1e: {  	p1 =	sgt.u32 s13, s6  }
0x1f: {  	s16 =	sshrl.u32 @!p1 s12, $0x3  }
0x20: {  	s17 =	sshll.u32 @!p1 s11, $0x3;
	s16 =	smul.u32 @!p1 $0x7A1400, s16  }
0x21: {  	s18 =	sshll.u32 @!p1 s12, $0x7;
	s17 =	sand.u32 @!p1 $0xFFFFFC00, s17  }
0x22: {  	s16 =	sadd.s32 @!p1 s16, s17;
	s17 =	sand.u32 @!p1 $0x380, s18  }
0x23: {  	s18 =	sand.u32 @!p1 $0x7F, s11;
	s16 =	sor.u32 @!p1 s17, s16  }
0x24: {  	s17 =	sor.u32 @!p1 s18, s16  }
0x25: {  	s18 =	smulhi.u32 @!p1 $0x218D6287, s17;
	_ =	sdelay $0x1  }
0x26: {  	s16 =	smulhi.u32 @!p1 $0x218D6287, s16;
	s18 =	sshrl.u32 @!p1 s18, $0x11  }
0x27: {  	s18 =	smul.u32 @!p1 $0xF4280, s18  }
0x28: {  	s19 =	sxor.u32 @!p1 $0xFFFFFFFF, s13;
	s16 =	sshrl.u32 @!p1 s16, $0x11  }
0x29: {  	s19 =	sshll.u32 @!p1 s19, $0xD;
	s16 =	sand.u32 @!p1 $0x3F, s16;
	s17 =	ssub.s32 @!p1 s17, s18  }
0x2a: {  	s16 =	smul.u32 @!p1 $0x1E850, s16;
	s18 =	sshrl.u32 @!p1 s17, $0x3;
	s17 =	sand.u32 @!p1 $0x7, s17  }
0x2b: {  	s19 =	sand.u32 @!p1 $0x2000, s19;
	s18 =	sadd.s32 @!p1 s2, s18;
	s17 =	sshll.u32 @!p1 s17, $0x12  }
0x2c: {  	s16 =	sadd.s32 @!p1 s16, s18;
	s17 =	sor.u32 @!p1 $0x400, s17;
	s18 =	simm.s32 @!p1 $0x7A1400  }
0x2d: {  	[tilespmem:s19], [sflag:$0x1] =	stream.strided.gather @!p1 [hbm4b:s16+s17], $0x2000, s18, s17, $0x38;
	[tilespmem:$0x8100] =	vst v63  }
0x2e: {  	p1 =	seq.s32 s13, $0x0  }
0x2f: {  	p2 =	sge.u32 @!p1 s13, s7  }
0x30: {  	p1 =	por p1, p2  }
.Ltmp2:
0x31: {  	_ = 	snop;
	(pc) =	sbr.rel @p1 .LBB1_5-.Ltmp2, $1  }
0x32: {  	_ =	sdelay $0x3  }
0x33: {  	s16 =	simm.s32 $0x1  }
0x34: {  	_ =	swait.ge [sflag:s4], $0x2000;
	s16 =	simm.s32 @!p0 $0x0  }
0x35: {  	[sflag:s4] =	ssyncset.done $0x0;
	s17 =	sshll.u32 s16, $0xD  }
0x36: {  	[sflag:s4] =	ssyncadd.s32 $0xFFFFE000;
	s17 =	sor.u32 $0x40, s17  }
0x37: {  	s16 =	smul.u32 $0x8200, s16;
	v0 =	vld [tilespmem:s17+$0x30]  }
0x38: {  	v1 =	vld [tilespmem:s17+$0xFFFFFFD0]  }
0x39: {  	s16 =	sshrl.u32 s16, $0x2;
	v5 =	vld [tilespmem:s17+$0xFFFFFFE0]  }
0x3a: {  	v6 =	vld [tilespmem:s17+$0xFFFFFFF0];
	s19 =	sor.u32 $0x4000, s16  }
0x3b: {  	s31 =	sand.u32 $0x1, s13;
	v4 =	vld [tilespmem:s17+$0x0];
	s18 =	sadd.s32 $0x0, s19  }
0x3c: {  	v3 =	vld [tilespmem:s17+$0x10];
	s16 =	smul.u32 $0x8200, s31;
	[tilespmem:s18+$0x1C70 ss:$0x41] =	vst.msk $0xffff, v0  }
0x3d: {  	v2 =	vld [tilespmem:s17+$0x20];
	[tilespmem:s18+$0x410 ss:$0x41] =	vst.msk $0xffff, v1  }
0x3e: {  	s16 =	sshrl.u32 s16, $0x2;
	v1 =	vld [tilespmem:s17+$0xFFFFFFC0];
	[tilespmem:s18+$0x820 ss:$0x41] =	vst.msk $0xffff, v5;
	s17 =	sadd.s32 $0x80, s17  }
0x3f: {  	s20 =	simm.s32 $0x4;
	s21 =	simm.s32 $0x8;
	s16 =	sor.u32 $0x4000, s16;
	[tilespmem:s18+$0xC30 ss:$0x41] =	vst.msk $0xffff, v6;
	v0 =	vld [tilespmem:s17+$0x30]  }
.LBB1_3:
0x40: {  	p1 =	sne.s32 s21, $0xFC;
	v5 =	vld [tilespmem:s17+$0xFFFFFFD0];
	[tilespmem:s18+$0x1040 ss:$0x41] =	vst.msk $0xffff, v4  }
0x41: {  	v6 =	vld [tilespmem:s17+$0xFFFFFFE0];
	[tilespmem:s18+$0x1450 ss:$0x41] =	vst.msk $0xffff, v3  }
0x42: {  	s22 =	sshra.s32 s20, $0x2;
	s20 =	smov.u32 s21;
	v7 =	vld [tilespmem:s17+$0xFFFFFFF0];
	[tilespmem:s18+$0x1860 ss:$0x41] =	vst.msk $0xffff, v2  }
.Ltmp3:
0x43: {  	v4 =	vld [tilespmem:s17+$0x0];
	[tilespmem:s18+$0x0 ss:$0x41] =	vst.msk $0xffff, v1;
	s18 =	sadd.s32 s22, s19;
	(pc) =	sbr.rel @p1 .LBB1_3-.Ltmp3, $4  }
0x44: {  	v3 =	vld [tilespmem:s17+$0x10];
	[tilespmem:s18+$0x1C70 ss:$0x41] =	vst.msk $0xffff, v0  }
0x45: {  	[tilespmem:s18+$0x410 ss:$0x41] =	vst.msk $0xffff, v5;
	v2 =	vld [tilespmem:s17+$0x20]  }
0x46: {  	v1 =	vld [tilespmem:s17+$0xFFFFFFC0];
	[tilespmem:s18+$0x820 ss:$0x41] =	vst.msk $0xffff, v6;
	s17 =	sadd.s32 $0x80, s17  }
0x47: {  	s21 =	sadd.s32 $0x4, s21;
	v0 =	vld [tilespmem:s17+$0x30];
	[tilespmem:s18+$0xC30 ss:$0x41] =	vst.msk $0xffff, v7  }
0x48: {  	s21 =	sshll.u32 s9, $0x7;
	s22 =	sshll.u32 s10, $0x3;
	s20 =	sshra.s32 s20, $0x2  }
0x49: {  	p1 =	sgt.s32 s9, $0xF41C0;
	s30 =	sshra.s32 s9, $0x1F;
	s25 =	sshra.s32 s10, $0x1F  }
0x4a: {  	v5 =	vld [tilespmem:s17+$0xFFFFFFD0];
	s28 =	sshrl.u32 s10, $0x3;
	s23 =	sand.u32 $0xFFFFFC00, s21;
	s22 =	sand.u32 $0xFFFFFC00, s22  }
0x4b: {  	[tilespmem:s18+$0x1040 ss:$0x41] =	vst.msk $0xffff, v4;
	v58 =	vld [tilespmem:s17+$0xFFFFFFE0];
	s21 =	sand.u32 $0x380, s21;
	s19 =	sadd.s32 s20, s19;
	s22 =	sadd.s32 s22, s23  }
0x4c: {  	v59 =	vld [tilespmem:s17+$0xFFFFFFF0];
	[tilespmem:s18+$0x1450 ss:$0x41] =	vst.msk $0xffff, v3;
	s29 =	sor.u32 s21, s22;
	s21 =	smov.u32 s9;
	s22 =	sand.u32 s30, s9  }
0x4d: {  	v60 =	vld [tilespmem:s17+$0x0];
	[tilespmem:s18+$0x1860 ss:$0x41] =	vst.msk $0xffff, v2;
	s30 =	sand.u32 $0x7, s10;
	s20 =	sshrl.u32 s29, $0x7;
	s21 =	simm.s32 @!p1 $0xF41C0  }
0x4e: {  	v61 =	vld [tilespmem:s17+$0x10];
	[tilespmem:s18+$0x0 ss:$0x41] =	vst.msk $0xffff, v1;
	p1 =	sgt.s32 s10, $0x40;
	s24 =	ssub.s32 s21, s22;
	s21 =	smov.u32 s10  }
0x4f: {  	v62 =	vld [tilespmem:s17+$0x20];
	[tilespmem:s19+$0x1C70 ss:$0x41] =	vst.msk $0xffff, v0;
	s31 =	smulhi.u32 $0x218DEF5, s20;
	s22 =	sand.u32 s25, s10;
	s21 =	simm.s32 @!p1 $0x40  }
0x50: {  	v63 =	vld [tilespmem:s17+$0xFFFFFFC0];
	[tilespmem:s19+$0x410 ss:$0x41] =	vst.msk $0xffff, v5;
	s26 =	sadd.s32 $0xFFF0BE40, s24;
	s17 =	ssub.s32 $0xF4240, s24;
	s21 =	ssub.s32 s21, s22  }
0x51: {  	[tilespmem:s19+$0x820 ss:$0x41] =	vst.msk $0xffff, v58;
	s23 =	sshrl.u32 s31, $0xD;
	p1 =	sgt.s32 s26, $0x7F;
	s27 =	sadd.s32 $0xFFFFFFC0, s21  }
0x52: {  	[tilespmem:s19+$0xC30 ss:$0x41] =	vst.msk $0xffff, v59;
	s23 =	smul.u32 $0xF4240, s23;
	s18 =	ssub.s32 $0x80, s21;
	p2 =	sgt.s32 s27, $0x3F  }
.Ltmp4:
0x53: {  	[tilespmem:s19+$0x1040 ss:$0x41] =	vst.msk $0xffff, v60;
	s17 =	simm.s32 @p1 $0x0;
	s18 =	simm.s32 @p2 $0x0;
	(pc) =	sbr.rel .LBB1_5-.Ltmp4, $4  }
0x54: {  	s29 =	sand.u32 $0xF, s28;
	[tilespmem:s19+$0x1450 ss:$0x41] =	vst.msk $0xffff, v61;
	s20 =	ssub.s32 s20, s23;
	s17 =	smul.u32 s18, s17  }
0x55: {  	[tilespmem:s19+$0x1860 ss:$0x41] =	vst.msk $0xffff, v62;
	s21 =	sshll.u32 s30, $0x12;
	s20 =	sshll.u32 s20, $0x4;
	s18 =	sadd.s32 s5, s29  }
0x56: {  	[tilespmem:s19+$0x0 ss:$0x41] =	vst.msk $0xffff, v63;
	s31 =	sor.u32 $0x40, s21;
	s18 =	sadd.s32 s20, s18;
	s17 =	sand.u32 $0x3FFFFFFF, s17  }
0x57: {  	[hbm4b:s18+s31] =	stream.strided.scatter [tilespmem:s16], [sflag:$0x2], s17, s8, s31, $0x18;
	[tilespmem:$0x8100] =	vst v63  }
.LBB1_6:
0x58: {  	_ =	sfence.sel $0x180000  }
0x59: {  	s2 =	simm.s32 $0x1;
	[bflag:$0x0] =	sbarrier.arrive $0xFFFF  }
0x5a: {  	s31 =	simm.s32 $0x2;
	[sflag:s2] =	ssyncpa.u1 $0x1  }
0x5b: {  	[sflag:s31] =	ssyncpa.u1 $0x1  }
0x5c: {  	p0 =	sne.s32 s1, $0x0;
	_ =	strace $0x90000047  }
0x5d: {  	s0 =	sadd.s32 @!p0 $0x100000, s0;
	[bflag:$0x2] =	sbarrier.arrive $0xFFFF  }
0x5e: {  	[sflag:s0] =	ssyncadd.tile.s32 @!p0 $0x1;
	_ =	shalt  }
.Lfunc_end1:
_tile_overlayer_lowered:
.L_overlay_start_2:
0x5f: {  	(tag) =	ssettag $0x2  }
0x60: {  	s0 =	rddreg [dreg:$0x0];
	s2 =	stileid.u32  }
0x61: {  	s1 =	rddreg [dreg:$0x1];
	p0 =	sne.s32 s2, $0x0  }
0x62: {  	s3 =	rddreg [dreg:$0x2];
	[bflag:$0x3] =	sbarrier.arrive $0xFFFF;
	s2 =	simm.s32 @!p0 $0x1C01  }
0x63: {  	[timem:s3], [sflag:s2] =	dma.local @!p0 [hbm:s0], s1  }
0x64: {  	s0 =	simm.s32 @!p0 $0x1  }
0x65: {  	_ =	swait.ge @!p0 [sflag:s0], s1  }
0x66: {  	s1 =	ssub.s32 @!p0 $0x0, s1;
	[sflag:s0] =	ssyncset.done @!p0 $0x0  }
0x67: {  	[sflag:s0] =	ssyncadd.s32 @!p0 s1  }
0x68: {  	[bflag:$0x3] =	sbarrier.arrive $0xFFFF  }
0x69: {  	_ =	shalt  }

</sc_bundles>
